<compile_context>
chip_gen: v7x
topology: tpu7x:2x2x1
jax: 0.10.2.dev20260603
libtpu: 0.0.44.dev20260713+nightly
codegen_flags: <defaults>
</compile_context>

<pallas_src>
import jax
import jax.numpy as jnp
from jax import lax
from jax.experimental import pallas as pl
from jax.experimental.pallas import tpu as pltpu
from jax.experimental.pallas import tpu_sc as plsc

N = 10000
E = 320000
D_IN = 128
D_HID = 128
D_OUT = 40
DP = 128

NC, NS = 2, 16
NW = NC * NS
L = 16

EPW = E // NW

HN = N // NC
ACC = HN + 8
CH = 640
ECHUNKS = E // CH
TRIPS = (ECHUNKS + NS - 1) // NS
RB = 312
TAILZ = ACC - NS * RB
TAILW = HN - NS * RB


def _mesh():
    return plsc.VectorSubcoreMesh(
        core_axis_name="c", subcore_axis_name="s", num_cores=NC, num_subcores=NS
    )



def _deg_body(dst_hbm, out_hbm, dst_v, hist_v):
    cid = lax.axis_index("c")
    sid = lax.axis_index("s")
    w = cid * NS + sid

    def zstep(i, carry):
        hist_v[pl.ds(i * L, L)] = jnp.zeros((L,), jnp.float32)
        return carry

    lax.fori_loop(0, N // L, zstep, 0)
    pltpu.sync_copy(dst_hbm.at[pl.ds(w * EPW, EPW)], dst_v)
    ones = jnp.ones((L,), jnp.float32)

    def estep(i, carry):
        idx = dst_v[pl.ds(i * L, L)]
        plsc.addupdate_scatter(hist_v, [idx], ones)
        return carry

    lax.fori_loop(0, EPW // L, estep, 0)
    pltpu.sync_copy(hist_v, out_hbm.at[pl.ds(w * N, N)])


_deg_call = pl.kernel(
    _deg_body,
    out_type=jax.ShapeDtypeStruct((NW * N,), jnp.float32),
    mesh=_mesh(),
    scratch_types=[
        pltpu.VMEM((EPW,), jnp.int32),
        pltpu.VMEM((N,), jnp.float32),
    ],
    compiler_params=pltpu.CompilerParams(needs_layout_passes=False),
)



def _agg_body(src_hbm, dst_hbm, g_hbm, zero_hbm, out_hbm, src_v, dst_v, rows_v, acc_sh, sem):
    cid = lax.axis_index("c")
    sid = lax.axis_index("s")
    lo = cid * HN
    r0 = sid * RB

    pltpu.sync_copy(zero_hbm.at[pl.ds(r0, RB)], acc_sh.at[pl.ds(r0, RB)])

    @pl.when(sid == 0)
    def _():
        pltpu.sync_copy(zero_hbm.at[pl.ds(NS * RB, TAILZ)], acc_sh.at[pl.ds(NS * RB, TAILZ)])

    plsc.subcore_barrier()

    def estep(t, carry):
        j = sid + NS * t

        @pl.when(j < ECHUNKS)
        def _():
            off = j * CH
            pltpu.sync_copy(src_hbm.at[pl.ds(off, CH)], src_v)
            desc = pltpu.async_copy(g_hbm.at[src_v], rows_v, sem)
            pltpu.sync_copy(dst_hbm.at[pl.ds(off, CH)], dst_v)

            def cstep(i, carry2):
                d = dst_v[pl.ds(i * L, L)] - lo
                ok = (d >= 0) & (d < HN)
                dst_v[pl.ds(i * L, L)] = jnp.where(ok, d, HN + (d & 7))
                return carry2

            lax.fori_loop(0, CH // L, cstep, 0)
            desc.wait()
            pltpu.sync_copy(rows_v, acc_sh.at[dst_v], add=True)

        return carry

    lax.fori_loop(0, TRIPS, estep, 0)
    plsc.subcore_barrier()
    pltpu.sync_copy(acc_sh.at[pl.ds(r0, RB)], out_hbm.at[pl.ds(lo + r0, RB)])

    @pl.when(sid == 0)
    def _():
        pltpu.sync_copy(
            acc_sh.at[pl.ds(NS * RB, TAILW)], out_hbm.at[pl.ds(lo + NS * RB, TAILW)]
        )


_agg_call = pl.kernel(
    _agg_body,
    out_type=jax.ShapeDtypeStruct((N, DP), jnp.float32),
    mesh=_mesh(),
    scratch_types=[
        pltpu.VMEM((CH,), jnp.int32),
        pltpu.VMEM((CH,), jnp.int32),
        pltpu.VMEM((CH, DP), jnp.float32),
        pltpu.VMEM_SHARED((ACC, DP), jnp.float32),
        pltpu.SemaphoreType.DMA,
    ],
)



BN = 1000
GRID = N // BN


def _prep_body(x_ref, w1_ref, degp_ref, g1_ref, dis_ref):
    deg = jnp.sum(degp_ref[...], axis=1, keepdims=True) + 1.0
    dis = lax.rsqrt(deg)
    h = jnp.dot(x_ref[...], w1_ref[...], preferred_element_type=jnp.float32)
    g1_ref[...] = h * dis
    dis_ref[...] = dis


def _prep_call(x, W1, degpT):
    return pl.pallas_call(
        _prep_body,
        grid=(GRID,),
        in_specs=[
            pl.BlockSpec((BN, D_IN), lambda i: (i, 0)),
            pl.BlockSpec((D_IN, D_HID), lambda i: (0, 0)),
            pl.BlockSpec((BN, NW), lambda i: (i, 0)),
        ],
        out_specs=[
            pl.BlockSpec((BN, D_HID), lambda i: (i, 0)),
            pl.BlockSpec((BN, 1), lambda i: (i, 0)),
        ],
        out_shape=[
            jax.ShapeDtypeStruct((N, D_HID), jnp.float32),
            jax.ShapeDtypeStruct((N, 1), jnp.float32),
        ],
    )(x, W1, degpT)


def _mid_body(agg_ref, g1_ref, dis_ref, w2_ref, b1_ref, g2_ref):
    s = agg_ref[...] + g1_ref[...]
    dis = dis_ref[...]
    z = jnp.maximum(s * dis + b1_ref[...], 0.0)
    g2_ref[...] = jnp.dot(z, w2_ref[...], preferred_element_type=jnp.float32) * dis


def _mid_call(agg, g1, dis, W2p, b1r):
    return pl.pallas_call(
        _mid_body,
        grid=(GRID,),
        in_specs=[
            pl.BlockSpec((BN, D_HID), lambda i: (i, 0)),
            pl.BlockSpec((BN, D_HID), lambda i: (i, 0)),
            pl.BlockSpec((BN, 1), lambda i: (i, 0)),
            pl.BlockSpec((D_HID, DP), lambda i: (0, 0)),
            pl.BlockSpec((1, D_HID), lambda i: (0, 0)),
        ],
        out_specs=pl.BlockSpec((BN, DP), lambda i: (i, 0)),
        out_shape=jax.ShapeDtypeStruct((N, DP), jnp.float32),
    )(agg, g1, dis, W2p, b1r)


def _fin_body(agg_ref, g2_ref, dis_ref, b2_ref, out_ref):
    s = agg_ref[...] + g2_ref[...]
    out_ref[...] = s * dis_ref[...] + b2_ref[...]


def _fin_call(agg, g2, dis, b2p):
    return pl.pallas_call(
        _fin_body,
        grid=(GRID,),
        in_specs=[
            pl.BlockSpec((BN, DP), lambda i: (i, 0)),
            pl.BlockSpec((BN, DP), lambda i: (i, 0)),
            pl.BlockSpec((BN, 1), lambda i: (i, 0)),
            pl.BlockSpec((1, DP), lambda i: (0, 0)),
        ],
        out_specs=pl.BlockSpec((BN, DP), lambda i: (i, 0)),
        out_shape=jax.ShapeDtypeStruct((N, DP), jnp.float32),
    )(agg, g2, dis, b2p)



def kernel(x, edge_idx, W1, b1, W2, b2):
    src = edge_idx[0].astype(jnp.int32)
    dst = edge_idx[1].astype(jnp.int32)

    degp = _deg_call(dst).reshape(NW, N)
    degpT = degp.T
    g1, dis = _prep_call(x, W1, degpT)

    zz = jnp.zeros((N, DP), jnp.float32)
    agg1 = _agg_call(src, dst, g1, zz)

    W2p = jnp.pad(W2, ((0, 0), (0, DP - D_OUT)))
    b1r = b1.reshape(1, D_HID)
    b2p = jnp.pad(b2, (0, DP - D_OUT)).reshape(1, DP)

    g2 = _mid_call(agg1, g1, dis, W2p, b1r)

    agg2 = _agg_call(src, dst, g2, zz)

    outp = _fin_call(agg2, g2, dis, b2p)
    return outp[:, :D_OUT]

# --- scband reference (transcript-rebuilt; emitter-appended) ---
"""Pipeline reference for scband-graph-convolution-layer-16054587753020 (READ-ONLY COPY).

The authoritative reference and input builder live on the scoring server;
editing this copy changes nothing except your own understanding.
"""

import jax, jax.numpy as jnp
import numpy as np

N_NODES = 10000
N_EDGES = 320000
D_IN = 128
D_HID = 128
D_OUT = 40


def setup_inputs(seed: int = 0) -> dict:
    key = jax.random.key(seed)
    k1, k2, k3, k4, k5, k6 = jax.random.split(key, 6)
    x = jax.random.normal(k1, (N_NODES, D_IN), dtype=jnp.float32)
    edge_idx = jax.random.randint(k2, (2, N_EDGES), 0, N_NODES, dtype=jnp.int64)
    # Glorot init like torch_geometric GCNConv
    W1 = jax.random.normal(k3, (D_IN, D_HID), dtype=jnp.float32) * (2.0 / (D_IN + D_HID)) ** 0.5
    b1 = jnp.zeros((D_HID,), dtype=jnp.float32)
    W2 = jax.random.normal(k4, (D_HID, D_OUT), dtype=jnp.float32) * (2.0 / (D_HID + D_OUT)) ** 0.5
    b2 = jnp.zeros((D_OUT,), dtype=jnp.float32)
    return {"x": x, "edge_idx": edge_idx, "W1": W1, "b1": b1, "W2": W2, "b2": b2}


def _gcn_conv(x, edge_idx, W, b):
    # Faithful GCNConv: linear transform, add self-loops, symmetric normalization,
    # scatter-add aggregation to destination nodes, then bias.
    N = x.shape[0]
    loop = jnp.arange(N, dtype=edge_idx.dtype)
    src = jnp.concatenate([edge_idx[0], loop])
    dst = jnp.concatenate([edge_idx[1], loop])
    h = x @ W
    deg = jnp.zeros((N,), dtype=h.dtype).at[dst].add(1.0)
    deg_inv_sqrt = jnp.where(deg > 0, deg ** -0.5, 0.0)
    norm = deg_inv_sqrt[src] * deg_inv_sqrt[dst]
    msgs = h[src] * norm[:, None]
    out = jnp.zeros((N, W.shape[1]), dtype=h.dtype).at[dst].add(msgs)
    return out + b


def reference(x, edge_idx, W1, b1, W2, b2):
    h = _gcn_conv(x, edge_idx, W1, b1)
    h = jax.nn.relu(h)
    # dropout(p=0.5, training=self.training): identity in eval mode
    out = _gcn_conv(h, edge_idx, W2, b2)
    return out

if __name__ == "__main__":
    import jax
    _d = setup_inputs()
    print(jax.jit(kernel)(*tuple(_d.values())))

</pallas_src>

<mosaic_0001>
#map = affine_map<(d0, d1) -> (0)>
#map1 = affine_map<(d0, d1) -> (0, 0)>
module attributes {stable_mosaic.version = 14 : i64} {
  func.func @_agg_body(%arg0: i32, %arg1: i32, %arg2: memref<320000xi32, #tpu.memory_space<hbm>>, %arg3: memref<320000xi32, #tpu.memory_space<hbm>>, %arg4: memref<10000x128xf32, #tpu.memory_space<hbm>>, %arg5: memref<10000x128xf32, #tpu.memory_space<hbm>>, %arg6: memref<10000x128xf32, #tpu.memory_space<hbm>>, %arg7: memref<640xi32, #tpu.memory_space<vmem>>, %arg8: memref<640xi32, #tpu.memory_space<vmem>>, %arg9: memref<640x128xf32, #tpu.memory_space<vmem>>, %arg10: memref<5008x128xf32, #tpu.memory_space<vmem_shared>>, %arg11: memref<!tpu.dma_semaphore, #tpu.memory_space<semaphore_mem>>) attributes {dimension_semantics = [#tpu.dimension_semantics<core_parallel>, #tpu.dimension_semantics<subcore_parallel>], iteration_bounds = array<i64: 2, 16>, scalar_prefetch = 0 : i64, scratch_operands = 5 : i64, tpu.core_type = #tpu.core_type<sc_vector_subcore>, window_params = [{transform_indices = #map}, {transform_indices = #map}, {transform_indices = #map1}, {transform_indices = #map1}, {transform_indices = #map1}]} {
    %mul3A = arith.constant 5000 : i32
    %mul3A_0 = arith.muli %arg0, %mul3A : i32
    %mul3A_1 = arith.constant 312 : i32
    %mul3A_2 = arith.muli %arg1, %mul3A_1 : i32
    "tpu.region"() ({
      %run_scoped3A = tpu.sem_alloc : memref<!tpu.dma_semaphore, #tpu.memory_space<semaphore_mem>>
      %dma_start3A = arith.constant 0 : i32
      %dma_start3A_16 = tpu.memref_slice %arg10[%mul3A_2, %dma_start3A] : memref<5008x128xf32, #tpu.memory_space<vmem_shared>> -> memref<312x128xf32, #tpu.memory_space<vmem_shared>>
      %dma_start3A_17 = arith.constant 0 : i32
      %dma_start3A_18 = tpu.memref_slice %arg5[%mul3A_2, %dma_start3A_17] : memref<10000x128xf32, #tpu.memory_space<hbm>> -> memref<312x128xf32, #tpu.memory_space<hbm>>
      tpu.enqueue_dma source(%dma_start3A_18 : memref<312x128xf32, #tpu.memory_space<hbm>>) target(%dma_start3A_16 : memref<312x128xf32, #tpu.memory_space<vmem_shared>>) target_semaphore(%run_scoped3A : memref<!tpu.dma_semaphore, #tpu.memory_space<semaphore_mem>>)
      %dma_wait3A = arith.constant 0 : i32
      %dma_wait3A_19 = tpu.memref_slice %arg10[%mul3A_2, %dma_wait3A] : memref<5008x128xf32, #tpu.memory_space<vmem_shared>> -> memref<312x128xf32, #tpu.memory_space<vmem_shared>>
      %dma_wait3A_20 = arith.constant 0 : i32
      %dma_wait3A_21 = tpu.memref_slice %arg5[%mul3A_2, %dma_wait3A_20] : memref<10000x128xf32, #tpu.memory_space<hbm>> -> memref<312x128xf32, #tpu.memory_space<hbm>>
      tpu.wait_dma2 semaphore(%run_scoped3A : memref<!tpu.dma_semaphore, #tpu.memory_space<semaphore_mem>>) src(%dma_wait3A_21 : memref<312x128xf32, #tpu.memory_space<hbm>>) dst(%dma_wait3A_19 : memref<312x128xf32, #tpu.memory_space<vmem_shared>>)
      tpu.yield
    }) : () -> ()
    %eq3A = arith.constant 0 : i32
    %eq3A_3 = arith.cmpi eq, %arg1, %eq3A : i32
    %convert_element_type3A = arith.extui %eq3A_3 : i1 to i32
    %cond3A = arith.constant 0 : i32
    %cond3A_4 = arith.cmpi ne, %convert_element_type3A, %cond3A : i32
    scf.if %cond3A_4 {
      "tpu.region"() ({
        %run_scoped3A = tpu.sem_alloc : memref<!tpu.dma_semaphore, #tpu.memory_space<semaphore_mem>>
        %dma_start3A = arith.constant 4992 : i32
        %dma_start3A_16 = arith.constant 0 : i32
        %dma_start3A_17 = tpu.memref_slice %arg10[%dma_start3A, %dma_start3A_16] : memref<5008x128xf32, #tpu.memory_space<vmem_shared>> -> memref<16x128xf32, #tpu.memory_space<vmem_shared>>
        %dma_start3A_18 = arith.constant 4992 : i32
        %dma_start3A_19 = arith.constant 0 : i32
        %dma_start3A_20 = tpu.memref_slice %arg5[%dma_start3A_18, %dma_start3A_19] : memref<10000x128xf32, #tpu.memory_space<hbm>> -> memref<16x128xf32, #tpu.memory_space<hbm>>
        tpu.enqueue_dma source(%dma_start3A_20 : memref<16x128xf32, #tpu.memory_space<hbm>>) target(%dma_start3A_17 : memref<16x128xf32, #tpu.memory_space<vmem_shared>>) target_semaphore(%run_scoped3A : memref<!tpu.dma_semaphore, #tpu.memory_space<semaphore_mem>>)
        %dma_wait3A = arith.constant 4992 : i32
        %dma_wait3A_21 = arith.constant 0 : i32
        %dma_wait3A_22 = tpu.memref_slice %arg10[%dma_wait3A, %dma_wait3A_21] : memref<5008x128xf32, #tpu.memory_space<vmem_shared>> -> memref<16x128xf32, #tpu.memory_space<vmem_shared>>
        %dma_wait3A_23 = arith.constant 4992 : i32
        %dma_wait3A_24 = arith.constant 0 : i32
        %dma_wait3A_25 = tpu.memref_slice %arg5[%dma_wait3A_23, %dma_wait3A_24] : memref<10000x128xf32, #tpu.memory_space<hbm>> -> memref<16x128xf32, #tpu.memory_space<hbm>>
        tpu.wait_dma2 semaphore(%run_scoped3A : memref<!tpu.dma_semaphore, #tpu.memory_space<semaphore_mem>>) src(%dma_wait3A_25 : memref<16x128xf32, #tpu.memory_space<hbm>>) dst(%dma_wait3A_22 : memref<16x128xf32, #tpu.memory_space<vmem_shared>>)
        tpu.yield
      }) : () -> ()
    } else {
    }
    %barrier3A = arith.constant 0 : index
    tpu.barrier barrier_id(%barrier3A)
    %scan3A = arith.constant 0 : i32
    %scan3A_5 = arith.constant 0 : i32
    %scan3A_6 = arith.constant 32 : i32
    %scan3A_7 = arith.addi %scan3A_5, %scan3A_6 : i32
    %scan3A_8 = arith.constant 1 : i32
    scf.for %scan3A_16 = %scan3A_5 to %scan3A_7 step %scan3A_8  : i32 {
      %mul3A_17 = arith.constant 16 : i32
      %mul3A_18 = arith.muli %mul3A_17, %scan3A_16 : i32
      %add3A_19 = arith.addi %arg1, %mul3A_18 : i32
      %lt3A = arith.constant 500 : i32
      %lt3A_20 = arith.cmpi slt, %add3A_19, %lt3A : i32
      %convert_element_type3A_21 = arith.extui %lt3A_20 : i1 to i32
      %cond3A_22 = arith.constant 0 : i32
      %cond3A_23 = arith.cmpi ne, %convert_element_type3A_21, %cond3A_22 : i32
      scf.if %cond3A_23 {
        %mul3A_24 = arith.constant 640 : i32
        %mul3A_25 = arith.muli %add3A_19, %mul3A_24 : i32
        "tpu.region"() ({
          %run_scoped3A = tpu.sem_alloc : memref<!tpu.dma_semaphore, #tpu.memory_space<semaphore_mem>>
          %dma_start3A_36 = tpu.memref_slice %arg2[%mul3A_25] : memref<320000xi32, #tpu.memory_space<hbm>> -> memref<640xi32, #tpu.memory_space<hbm>>
          %dma_start3A_37 = tpu.memref_slice %arg2[%mul3A_25] : memref<320000xi32, #tpu.memory_space<hbm>> -> memref<640xi32, #tpu.memory_space<hbm>>
          tpu.enqueue_dma source(%dma_start3A_37 : memref<640xi32, #tpu.memory_space<hbm>>) target(%arg7 : memref<640xi32, #tpu.memory_space<vmem>>) target_semaphore(%run_scoped3A : memref<!tpu.dma_semaphore, #tpu.memory_space<semaphore_mem>>)
          %dma_wait3A_38 = tpu.memref_slice %arg2[%mul3A_25] : memref<320000xi32, #tpu.memory_space<hbm>> -> memref<640xi32, #tpu.memory_space<hbm>>
          %dma_wait3A_39 = tpu.memref_slice %arg2[%mul3A_25] : memref<320000xi32, #tpu.memory_space<hbm>> -> memref<640xi32, #tpu.memory_space<hbm>>
          tpu.wait_dma2 semaphore(%run_scoped3A : memref<!tpu.dma_semaphore, #tpu.memory_space<semaphore_mem>>) src(%dma_wait3A_39 : memref<640xi32, #tpu.memory_space<hbm>>) dst(%arg7 : memref<640xi32, #tpu.memory_space<vmem>>)
          tpu.yield
        }) : () -> ()
        %dma_start3A = arith.constant 0 : i32
        %dma_start3A_26 = arith.constant 0 : i32
        %dma_start3A_27 = tpu.memref_slice %arg4[%dma_start3A, %dma_start3A_26] : memref<10000x128xf32, #tpu.memory_space<hbm>> -> memref<10000x128xf32, #tpu.memory_space<hbm>>
        tpu.enqueue_indirect_dma source(%dma_start3A_27 : memref<10000x128xf32, #tpu.memory_space<hbm>>) target(%arg9 : memref<640x128xf32, #tpu.memory_space<vmem>>) offsets(%arg7 : memref<640xi32, #tpu.memory_space<vmem>>) semaphore(%arg11 : memref<!tpu.dma_semaphore, #tpu.memory_space<semaphore_mem>>)
        "tpu.region"() ({
          %run_scoped3A = tpu.sem_alloc : memref<!tpu.dma_semaphore, #tpu.memory_space<semaphore_mem>>
          %dma_start3A_36 = tpu.memref_slice %arg3[%mul3A_25] : memref<320000xi32, #tpu.memory_space<hbm>> -> memref<640xi32, #tpu.memory_space<hbm>>
          %dma_start3A_37 = tpu.memref_slice %arg3[%mul3A_25] : memref<320000xi32, #tpu.memory_space<hbm>> -> memref<640xi32, #tpu.memory_space<hbm>>
          tpu.enqueue_dma source(%dma_start3A_37 : memref<640xi32, #tpu.memory_space<hbm>>) target(%arg8 : memref<640xi32, #tpu.memory_space<vmem>>) target_semaphore(%run_scoped3A : memref<!tpu.dma_semaphore, #tpu.memory_space<semaphore_mem>>)
          %dma_wait3A_38 = tpu.memref_slice %arg3[%mul3A_25] : memref<320000xi32, #tpu.memory_space<hbm>> -> memref<640xi32, #tpu.memory_space<hbm>>
          %dma_wait3A_39 = tpu.memref_slice %arg3[%mul3A_25] : memref<320000xi32, #tpu.memory_space<hbm>> -> memref<640xi32, #tpu.memory_space<hbm>>
          tpu.wait_dma2 semaphore(%run_scoped3A : memref<!tpu.dma_semaphore, #tpu.memory_space<semaphore_mem>>) src(%dma_wait3A_39 : memref<640xi32, #tpu.memory_space<hbm>>) dst(%arg8 : memref<640xi32, #tpu.memory_space<vmem>>)
          tpu.yield
        }) : () -> ()
        %scan3A_28 = arith.constant 0 : i32
        %scan3A_29 = arith.constant 0 : i32
        %scan3A_30 = arith.constant 40 : i32
        %scan3A_31 = arith.addi %scan3A_29, %scan3A_30 : i32
        %scan3A_32 = arith.constant 1 : i32
        scf.for %scan3A_36 = %scan3A_29 to %scan3A_31 step %scan3A_32  : i32 {
          %mul3A_37 = arith.constant 16 : i32
          %mul3A_38 = arith.muli %scan3A_36, %mul3A_37 : i32
          %get3A = arith.index_cast %mul3A_38 : i32 to index
          %get3A_39 = tpu.vector_load %arg8[%get3A] {strides = array<i32>} : memref<640xi32, #tpu.memory_space<vmem>>, vector<16xi32>,
          %get3A_40 = vector.shape_cast %get3A_39 : vector<16xi32> to vector<16xi32>
          %sub3A = vector.broadcast %mul3A_0 : i32 to vector<16xi32>
          %sub3A_41 = arith.subi %get3A_40, %sub3A : vector<16xi32>
          %ge3A = arith.constant 0 : i32
          %ge3A_42 = vector.broadcast %ge3A : i32 to vector<16xi32>
          %ge3A_43 = arith.cmpi sge, %sub3A_41, %ge3A_42 : vector<16xi32>
          %lt3A_44 = arith.constant 5000 : i32
          %lt3A_45 = vector.broadcast %lt3A_44 : i32 to vector<16xi32>
          %lt3A_46 = arith.cmpi slt, %sub3A_41, %lt3A_45 : vector<16xi32>
          %and3A = arith.andi %ge3A_43, %lt3A_46 : vector<16xi1>
          %and3A_47 = arith.constant 7 : i32
          %and3A_48 = vector.broadcast %and3A_47 : i32 to vector<16xi32>
          %and3A_49 = arith.andi %sub3A_41, %and3A_48 : vector<16xi32>
          %add3A_50 = arith.constant 5000 : i32
          %add3A_51 = vector.broadcast %add3A_50 : i32 to vector<16xi32>
          %add3A_52 = arith.addi %add3A_51, %and3A_49 : vector<16xi32>
          %select_n3A = arith.select %and3A, %sub3A_41, %add3A_52 : vector<16xi1>, vector<16xi32>
          %mul3A_53 = arith.constant 16 : i32
          %mul3A_54 = arith.muli %scan3A_36, %mul3A_53 : i32
          %swap3A = arith.index_cast %mul3A_54 : i32 to index
          %swap3A_55 = tpu.vector_load %arg8[%swap3A] {strides = array<i32>} : memref<640xi32, #tpu.memory_space<vmem>>, vector<16xi32>,
          %swap3A_56 = vector.shape_cast %swap3A_55 : vector<16xi32> to vector<16xi32>
          %swap3A_57 = vector.shape_cast %select_n3A : vector<16xi32> to vector<16xi32>
          tpu.vector_store %arg8[%swap3A], %swap3A_57 {strides = array<i32>} : memref<640xi32, #tpu.memory_space<vmem>>, vector<16xi32>,
        }
        %scan3A_33 = arith.constant 40 : i32
        %dma_wait3A = arith.constant 0 : i32
        %dma_wait3A_34 = arith.constant 0 : i32
        %dma_wait3A_35 = tpu.memref_slice %arg4[%dma_wait3A, %dma_wait3A_34] : memref<10000x128xf32, #tpu.memory_space<hbm>> -> memref<10000x128xf32, #tpu.memory_space<hbm>>
        tpu.wait_indirect_dma semaphore(%arg11 : memref<!tpu.dma_semaphore, #tpu.memory_space<semaphore_mem>>) src(%dma_wait3A_35 : memref<10000x128xf32, #tpu.memory_space<hbm>>) dst(%arg9 : memref<640x128xf32, #tpu.memory_space<vmem>>)
        "tpu.region"() ({
          %run_scoped3A = tpu.sem_alloc : memref<!tpu.dma_semaphore, #tpu.memory_space<semaphore_mem>>
          %dma_start3A_36 = arith.constant 0 : i32
          %dma_start3A_37 = arith.constant 0 : i32
          %dma_start3A_38 = tpu.memref_slice %arg10[%dma_start3A_36, %dma_start3A_37] : memref<5008x128xf32, #tpu.memory_space<vmem_shared>> -> memref<5008x128xf32, #tpu.memory_space<vmem_shared>>
          tpu.enqueue_indirect_dma source(%arg9 : memref<640x128xf32, #tpu.memory_space<vmem>>) target(%dma_start3A_38 : memref<5008x128xf32, #tpu.memory_space<vmem_shared>>) offsets(%arg8 : memref<640xi32, #tpu.memory_space<vmem>>) semaphore(%run_scoped3A : memref<!tpu.dma_semaphore, #tpu.memory_space<semaphore_mem>>) {add = true}
          %dma_wait3A_39 = arith.constant 0 : i32
          %dma_wait3A_40 = arith.constant 0 : i32
          %dma_wait3A_41 = tpu.memref_slice %arg10[%dma_wait3A_39, %dma_wait3A_40] : memref<5008x128xf32, #tpu.memory_space<vmem_shared>> -> memref<5008x128xf32, #tpu.memory_space<vmem_shared>>
          tpu.wait_indirect_dma semaphore(%run_scoped3A : memref<!tpu.dma_semaphore, #tpu.memory_space<semaphore_mem>>) src(%arg9 : memref<640x128xf32, #tpu.memory_space<vmem>>) dst(%dma_wait3A_41 : memref<5008x128xf32, #tpu.memory_space<vmem_shared>>)
          tpu.yield
        }) : () -> ()
      } else {
      }
    }
    %scan3A_9 = arith.constant 32 : i32
    %barrier3A_10 = arith.constant 0 : index
    tpu.barrier barrier_id(%barrier3A_10)
    %add3A = arith.addi %mul3A_0, %mul3A_2 : i32
    "tpu.region"() ({
      %run_scoped3A = tpu.sem_alloc : memref<!tpu.dma_semaphore, #tpu.memory_space<semaphore_mem>>
      %dma_start3A = arith.constant 0 : i32
      %dma_start3A_16 = tpu.memref_slice %arg6[%add3A, %dma_start3A] : memref<10000x128xf32, #tpu.memory_space<hbm>> -> memref<312x128xf32, #tpu.memory_space<hbm>>
      %dma_start3A_17 = arith.constant 0 : i32
      %dma_start3A_18 = tpu.memref_slice %arg10[%mul3A_2, %dma_start3A_17] : memref<5008x128xf32, #tpu.memory_space<vmem_shared>> -> memref<312x128xf32, #tpu.memory_space<vmem_shared>>
      tpu.enqueue_dma source(%dma_start3A_18 : memref<312x128xf32, #tpu.memory_space<vmem_shared>>) target(%dma_start3A_16 : memref<312x128xf32, #tpu.memory_space<hbm>>) target_semaphore(%run_scoped3A : memref<!tpu.dma_semaphore, #tpu.memory_space<semaphore_mem>>)
      %dma_wait3A = arith.constant 0 : i32
      %dma_wait3A_19 = tpu.memref_slice %arg6[%add3A, %dma_wait3A] : memref<10000x128xf32, #tpu.memory_space<hbm>> -> memref<312x128xf32, #tpu.memory_space<hbm>>
      %dma_wait3A_20 = arith.constant 0 : i32
      %dma_wait3A_21 = tpu.memref_slice %arg10[%mul3A_2, %dma_wait3A_20] : memref<5008x128xf32, #tpu.memory_space<vmem_shared>> -> memref<312x128xf32, #tpu.memory_space<vmem_shared>>
      tpu.wait_dma2 semaphore(%run_scoped3A : memref<!tpu.dma_semaphore, #tpu.memory_space<semaphore_mem>>) src(%dma_wait3A_21 : memref<312x128xf32, #tpu.memory_space<vmem_shared>>) dst(%dma_wait3A_19 : memref<312x128xf32, #tpu.memory_space<hbm>>)
      tpu.yield
    }) : () -> ()
    %eq3A_11 = arith.constant 0 : i32
    %eq3A_12 = arith.cmpi eq, %arg1, %eq3A_11 : i32
    %convert_element_type3A_13 = arith.extui %eq3A_12 : i1 to i32
    %cond3A_14 = arith.constant 0 : i32
    %cond3A_15 = arith.cmpi ne, %convert_element_type3A_13, %cond3A_14 : i32
    scf.if %cond3A_15 {
      %add3A_16 = arith.constant 4992 : i32
      %add3A_17 = arith.addi %mul3A_0, %add3A_16 : i32
      "tpu.region"() ({
        %run_scoped3A = tpu.sem_alloc : memref<!tpu.dma_semaphore, #tpu.memory_space<semaphore_mem>>
        %dma_start3A = arith.constant 0 : i32
        %dma_start3A_18 = tpu.memref_slice %arg6[%add3A_17, %dma_start3A] : memref<10000x128xf32, #tpu.memory_space<hbm>> -> memref<8x128xf32, #tpu.memory_space<hbm>>
        %dma_start3A_19 = arith.constant 4992 : i32
        %dma_start3A_20 = arith.constant 0 : i32
        %dma_start3A_21 = tpu.memref_slice %arg10[%dma_start3A_19, %dma_start3A_20] : memref<5008x128xf32, #tpu.memory_space<vmem_shared>> -> memref<8x128xf32, #tpu.memory_space<vmem_shared>>
        tpu.enqueue_dma source(%dma_start3A_21 : memref<8x128xf32, #tpu.memory_space<vmem_shared>>) target(%dma_start3A_18 : memref<8x128xf32, #tpu.memory_space<hbm>>) target_semaphore(%run_scoped3A : memref<!tpu.dma_semaphore, #tpu.memory_space<semaphore_mem>>)
        %dma_wait3A = arith.constant 0 : i32
        %dma_wait3A_22 = tpu.memref_slice %arg6[%add3A_17, %dma_wait3A] : memref<10000x128xf32, #tpu.memory_space<hbm>> -> memref<8x128xf32, #tpu.memory_space<hbm>>
        %dma_wait3A_23 = arith.constant 4992 : i32
        %dma_wait3A_24 = arith.constant 0 : i32
        %dma_wait3A_25 = tpu.memref_slice %arg10[%dma_wait3A_23, %dma_wait3A_24] : memref<5008x128xf32, #tpu.memory_space<vmem_shared>> -> memref<8x128xf32, #tpu.memory_space<vmem_shared>>
        tpu.wait_dma2 semaphore(%run_scoped3A : memref<!tpu.dma_semaphore, #tpu.memory_space<semaphore_mem>>) src(%dma_wait3A_25 : memref<8x128xf32, #tpu.memory_space<vmem_shared>>) dst(%dma_wait3A_22 : memref<8x128xf32, #tpu.memory_space<hbm>>)
        tpu.yield
      }) : () -> ()
    } else {
    }
    return
  }
}

#map = affine_map<(d0, d1) -> (0)>
module attributes {stable_mosaic.version = 14 : i64} {
  func.func @_deg_body(%arg0: i32, %arg1: i32, %arg2: memref<320000xi32, #tpu.memory_space<hbm>>, %arg3: memref<320000xf32, #tpu.memory_space<hbm>>, %arg4: memref<10000xi32, #tpu.memory_space<vmem>>, %arg5: memref<10000xf32, #tpu.memory_space<vmem>>) attributes {dimension_semantics = [#tpu.dimension_semantics<core_parallel>, #tpu.dimension_semantics<subcore_parallel>], iteration_bounds = array<i64: 2, 16>, scalar_prefetch = 0 : i64, scratch_operands = 2 : i64, tpu.core_type = #tpu.core_type<sc_vector_subcore>, window_params = [{transform_indices = #map}, {transform_indices = #map}]} {
    %mul3A = arith.constant 16 : i32
    %mul3A_0 = arith.muli %arg0, %mul3A : i32
    %add3A = arith.addi %mul3A_0, %arg1 : i32
    %scan3A = arith.constant 0 : i32
    %scan3A_1 = arith.constant 0 : i32
    %scan3A_2 = arith.constant 625 : i32
    %scan3A_3 = arith.addi %scan3A_1, %scan3A_2 : i32
    %scan3A_4 = arith.constant 1 : i32
    scf.for %scan3A_17 = %scan3A_1 to %scan3A_3 step %scan3A_4  : i32 {
      %broadcast_in_dim3A_18 = arith.constant 0.000000e+00 : f32
      %broadcast_in_dim3A_19 = vector.broadcast %broadcast_in_dim3A_18 : f32 to vector<16xf32>
      %mul3A_20 = arith.constant 16 : i32
      %mul3A_21 = arith.muli %scan3A_17, %mul3A_20 : i32
      %swap3A = arith.index_cast %mul3A_21 : i32 to index
      %swap3A_22 = tpu.vector_load %arg5[%swap3A] {strides = array<i32>} : memref<10000xf32, #tpu.memory_space<vmem>>, vector<16xf32>,
      tpu.vector_store %arg5[%swap3A], %broadcast_in_dim3A_19 {strides = array<i32>} : memref<10000xf32, #tpu.memory_space<vmem>>, vector<16xf32>,
    }
    %scan3A_5 = arith.constant 625 : i32
    %mul3A_6 = arith.constant 10000 : i32
    %mul3A_7 = arith.muli %add3A, %mul3A_6 : i32
    "tpu.region"() ({
      %run_scoped3A = tpu.sem_alloc : memref<!tpu.dma_semaphore, #tpu.memory_space<semaphore_mem>>
      %dma_start3A = tpu.memref_slice %arg2[%mul3A_7] : memref<320000xi32, #tpu.memory_space<hbm>> -> memref<10000xi32, #tpu.memory_space<hbm>>
      %dma_start3A_17 = tpu.memref_slice %arg2[%mul3A_7] : memref<320000xi32, #tpu.memory_space<hbm>> -> memref<10000xi32, #tpu.memory_space<hbm>>
      tpu.enqueue_dma source(%dma_start3A_17 : memref<10000xi32, #tpu.memory_space<hbm>>) target(%arg4 : memref<10000xi32, #tpu.memory_space<vmem>>) target_semaphore(%run_scoped3A : memref<!tpu.dma_semaphore, #tpu.memory_space<semaphore_mem>>)
      %dma_wait3A = tpu.memref_slice %arg2[%mul3A_7] : memref<320000xi32, #tpu.memory_space<hbm>> -> memref<10000xi32, #tpu.memory_space<hbm>>
      %dma_wait3A_18 = tpu.memref_slice %arg2[%mul3A_7] : memref<320000xi32, #tpu.memory_space<hbm>> -> memref<10000xi32, #tpu.memory_space<hbm>>
      tpu.wait_dma2 semaphore(%run_scoped3A : memref<!tpu.dma_semaphore, #tpu.memory_space<semaphore_mem>>) src(%dma_wait3A_18 : memref<10000xi32, #tpu.memory_space<hbm>>) dst(%arg4 : memref<10000xi32, #tpu.memory_space<vmem>>)
      tpu.yield
    }) : () -> ()
    %broadcast_in_dim3A = arith.constant 1.000000e+00 : f32
    %broadcast_in_dim3A_8 = vector.broadcast %broadcast_in_dim3A : f32 to vector<16xf32>
    %scan3A_9 = arith.constant 0 : i32
    %scan3A_10 = arith.constant 0 : i32
    %scan3A_11 = arith.constant 625 : i32
    %scan3A_12 = arith.addi %scan3A_10, %scan3A_11 : i32
    %scan3A_13 = arith.constant 1 : i32
    scf.for %scan3A_17 = %scan3A_10 to %scan3A_12 step %scan3A_13  : i32 {
      %mul3A_18 = arith.constant 16 : i32
      %mul3A_19 = arith.muli %scan3A_17, %mul3A_18 : i32
      %get3A = arith.index_cast %mul3A_19 : i32 to index
      %get3A_20 = tpu.vector_load %arg4[%get3A] {strides = array<i32>} : memref<10000xi32, #tpu.memory_space<vmem>>, vector<16xi32>,
      tpu.vector_store_idx %arg5[%get3A_20], %broadcast_in_dim3A_8 {add = true} : memref<10000xf32, #tpu.memory_space<vmem>>[vector<16xi32>], vector<16xf32>,
    }
    %scan3A_14 = arith.constant 625 : i32
    %mul3A_15 = arith.constant 10000 : i32
    %mul3A_16 = arith.muli %add3A, %mul3A_15 : i32
    "tpu.region"() ({
      %run_scoped3A = tpu.sem_alloc : memref<!tpu.dma_semaphore, #tpu.memory_space<semaphore_mem>>
      %dma_start3A = tpu.memref_slice %arg3[%mul3A_16] : memref<320000xf32, #tpu.memory_space<hbm>> -> memref<10000xf32, #tpu.memory_space<hbm>>
      %dma_start3A_17 = tpu.memref_slice %arg3[%mul3A_16] : memref<320000xf32, #tpu.memory_space<hbm>> -> memref<10000xf32, #tpu.memory_space<hbm>>
      tpu.enqueue_dma source(%arg5 : memref<10000xf32, #tpu.memory_space<vmem>>) target(%dma_start3A_17 : memref<10000xf32, #tpu.memory_space<hbm>>) target_semaphore(%run_scoped3A : memref<!tpu.dma_semaphore, #tpu.memory_space<semaphore_mem>>)
      %dma_wait3A = tpu.memref_slice %arg3[%mul3A_16] : memref<320000xf32, #tpu.memory_space<hbm>> -> memref<10000xf32, #tpu.memory_space<hbm>>
      %dma_wait3A_18 = tpu.memref_slice %arg3[%mul3A_16] : memref<320000xf32, #tpu.memory_space<hbm>> -> memref<10000xf32, #tpu.memory_space<hbm>>
      tpu.wait_dma2 semaphore(%run_scoped3A : memref<!tpu.dma_semaphore, #tpu.memory_space<semaphore_mem>>) src(%arg5 : memref<10000xf32, #tpu.memory_space<vmem>>) dst(%dma_wait3A_18 : memref<10000xf32, #tpu.memory_space<hbm>>)
      tpu.yield
    }) : () -> ()
    return
  }
}

#map = affine_map<(d0, d1) -> (0)>
#map1 = affine_map<(d0, d1) -> (0, 0)>
module attributes {stable_mosaic.version = 14 : i64} {
  func.func @_agg_body(%arg0: i32, %arg1: i32, %arg2: memref<320000xi32, #tpu.memory_space<hbm>>, %arg3: memref<320000xi32, #tpu.memory_space<hbm>>, %arg4: memref<10000x128xf32, #tpu.memory_space<hbm>>, %arg5: memref<10000x128xf32, #tpu.memory_space<hbm>>, %arg6: memref<10000x128xf32, #tpu.memory_space<hbm>>, %arg7: memref<640xi32, #tpu.memory_space<vmem>>, %arg8: memref<640xi32, #tpu.memory_space<vmem>>, %arg9: memref<640x128xf32, #tpu.memory_space<vmem>>, %arg10: memref<5008x128xf32, #tpu.memory_space<vmem_shared>>, %arg11: memref<!tpu.dma_semaphore, #tpu.memory_space<semaphore_mem>>) attributes {dimension_semantics = [#tpu.dimension_semantics<core_parallel>, #tpu.dimension_semantics<subcore_parallel>], iteration_bounds = array<i64: 2, 16>, scalar_prefetch = 0 : i64, scratch_operands = 5 : i64, tpu.core_type = #tpu.core_type<sc_vector_subcore>, window_params = [{transform_indices = #map}, {transform_indices = #map}, {transform_indices = #map1}, {transform_indices = #map1}, {transform_indices = #map1}]} {
    %mul3A = arith.constant 5000 : i32
    %mul3A_0 = arith.muli %arg0, %mul3A : i32
    %mul3A_1 = arith.constant 312 : i32
    %mul3A_2 = arith.muli %arg1, %mul3A_1 : i32
    "tpu.region"() ({
      %run_scoped3A = tpu.sem_alloc : memref<!tpu.dma_semaphore, #tpu.memory_space<semaphore_mem>>
      %dma_start3A = arith.constant 0 : i32
      %dma_start3A_16 = tpu.memref_slice %arg10[%mul3A_2, %dma_start3A] : memref<5008x128xf32, #tpu.memory_space<vmem_shared>> -> memref<312x128xf32, #tpu.memory_space<vmem_shared>>
      %dma_start3A_17 = arith.constant 0 : i32
      %dma_start3A_18 = tpu.memref_slice %arg5[%mul3A_2, %dma_start3A_17] : memref<10000x128xf32, #tpu.memory_space<hbm>> -> memref<312x128xf32, #tpu.memory_space<hbm>>
      tpu.enqueue_dma source(%dma_start3A_18 : memref<312x128xf32, #tpu.memory_space<hbm>>) target(%dma_start3A_16 : memref<312x128xf32, #tpu.memory_space<vmem_shared>>) target_semaphore(%run_scoped3A : memref<!tpu.dma_semaphore, #tpu.memory_space<semaphore_mem>>)
      %dma_wait3A = arith.constant 0 : i32
      %dma_wait3A_19 = tpu.memref_slice %arg10[%mul3A_2, %dma_wait3A] : memref<5008x128xf32, #tpu.memory_space<vmem_shared>> -> memref<312x128xf32, #tpu.memory_space<vmem_shared>>
      %dma_wait3A_20 = arith.constant 0 : i32
      %dma_wait3A_21 = tpu.memref_slice %arg5[%mul3A_2, %dma_wait3A_20] : memref<10000x128xf32, #tpu.memory_space<hbm>> -> memref<312x128xf32, #tpu.memory_space<hbm>>
      tpu.wait_dma2 semaphore(%run_scoped3A : memref<!tpu.dma_semaphore, #tpu.memory_space<semaphore_mem>>) src(%dma_wait3A_21 : memref<312x128xf32, #tpu.memory_space<hbm>>) dst(%dma_wait3A_19 : memref<312x128xf32, #tpu.memory_space<vmem_shared>>)
      tpu.yield
    }) : () -> ()
    %eq3A = arith.constant 0 : i32
    %eq3A_3 = arith.cmpi eq, %arg1, %eq3A : i32
    %convert_element_type3A = arith.extui %eq3A_3 : i1 to i32
    %cond3A = arith.constant 0 : i32
    %cond3A_4 = arith.cmpi ne, %convert_element_type3A, %cond3A : i32
    scf.if %cond3A_4 {
      "tpu.region"() ({
        %run_scoped3A = tpu.sem_alloc : memref<!tpu.dma_semaphore, #tpu.memory_space<semaphore_mem>>
        %dma_start3A = arith.constant 4992 : i32
        %dma_start3A_16 = arith.constant 0 : i32
        %dma_start3A_17 = tpu.memref_slice %arg10[%dma_start3A, %dma_start3A_16] : memref<5008x128xf32, #tpu.memory_space<vmem_shared>> -> memref<16x128xf32, #tpu.memory_space<vmem_shared>>
        %dma_start3A_18 = arith.constant 4992 : i32
        %dma_start3A_19 = arith.constant 0 : i32
        %dma_start3A_20 = tpu.memref_slice %arg5[%dma_start3A_18, %dma_start3A_19] : memref<10000x128xf32, #tpu.memory_space<hbm>> -> memref<16x128xf32, #tpu.memory_space<hbm>>
        tpu.enqueue_dma source(%dma_start3A_20 : memref<16x128xf32, #tpu.memory_space<hbm>>) target(%dma_start3A_17 : memref<16x128xf32, #tpu.memory_space<vmem_shared>>) target_semaphore(%run_scoped3A : memref<!tpu.dma_semaphore, #tpu.memory_space<semaphore_mem>>)
        %dma_wait3A = arith.constant 4992 : i32
        %dma_wait3A_21 = arith.constant 0 : i32
        %dma_wait3A_22 = tpu.memref_slice %arg10[%dma_wait3A, %dma_wait3A_21] : memref<5008x128xf32, #tpu.memory_space<vmem_shared>> -> memref<16x128xf32, #tpu.memory_space<vmem_shared>>
        %dma_wait3A_23 = arith.constant 4992 : i32
        %dma_wait3A_24 = arith.constant 0 : i32
        %dma_wait3A_25 = tpu.memref_slice %arg5[%dma_wait3A_23, %dma_wait3A_24] : memref<10000x128xf32, #tpu.memory_space<hbm>> -> memref<16x128xf32, #tpu.memory_space<hbm>>
        tpu.wait_dma2 semaphore(%run_scoped3A : memref<!tpu.dma_semaphore, #tpu.memory_space<semaphore_mem>>) src(%dma_wait3A_25 : memref<16x128xf32, #tpu.memory_space<hbm>>) dst(%dma_wait3A_22 : memref<16x128xf32, #tpu.memory_space<vmem_shared>>)
        tpu.yield
      }) : () -> ()
    } else {
    }
    %barrier3A = arith.constant 0 : index
    tpu.barrier barrier_id(%barrier3A)
    %scan3A = arith.constant 0 : i32
    %scan3A_5 = arith.constant 0 : i32
    %scan3A_6 = arith.constant 32 : i32
    %scan3A_7 = arith.addi %scan3A_5, %scan3A_6 : i32
    %scan3A_8 = arith.constant 1 : i32
    scf.for %scan3A_16 = %scan3A_5 to %scan3A_7 step %scan3A_8  : i32 {
      %mul3A_17 = arith.constant 16 : i32
      %mul3A_18 = arith.muli %mul3A_17, %scan3A_16 : i32
      %add3A_19 = arith.addi %arg1, %mul3A_18 : i32
      %lt3A = arith.constant 500 : i32
      %lt3A_20 = arith.cmpi slt, %add3A_19, %lt3A : i32
      %convert_element_type3A_21 = arith.extui %lt3A_20 : i1 to i32
      %cond3A_22 = arith.constant 0 : i32
      %cond3A_23 = arith.cmpi ne, %convert_element_type3A_21, %cond3A_22 : i32
      scf.if %cond3A_23 {
        %mul3A_24 = arith.constant 640 : i32
        %mul3A_25 = arith.muli %add3A_19, %mul3A_24 : i32
        "tpu.region"() ({
          %run_scoped3A = tpu.sem_alloc : memref<!tpu.dma_semaphore, #tpu.memory_space<semaphore_mem>>
          %dma_start3A_36 = tpu.memref_slice %arg2[%mul3A_25] : memref<320000xi32, #tpu.memory_space<hbm>> -> memref<640xi32, #tpu.memory_space<hbm>>
          %dma_start3A_37 = tpu.memref_slice %arg2[%mul3A_25] : memref<320000xi32, #tpu.memory_space<hbm>> -> memref<640xi32, #tpu.memory_space<hbm>>
          tpu.enqueue_dma source(%dma_start3A_37 : memref<640xi32, #tpu.memory_space<hbm>>) target(%arg7 : memref<640xi32, #tpu.memory_space<vmem>>) target_semaphore(%run_scoped3A : memref<!tpu.dma_semaphore, #tpu.memory_space<semaphore_mem>>)
          %dma_wait3A_38 = tpu.memref_slice %arg2[%mul3A_25] : memref<320000xi32, #tpu.memory_space<hbm>> -> memref<640xi32, #tpu.memory_space<hbm>>
          %dma_wait3A_39 = tpu.memref_slice %arg2[%mul3A_25] : memref<320000xi32, #tpu.memory_space<hbm>> -> memref<640xi32, #tpu.memory_space<hbm>>
          tpu.wait_dma2 semaphore(%run_scoped3A : memref<!tpu.dma_semaphore, #tpu.memory_space<semaphore_mem>>) src(%dma_wait3A_39 : memref<640xi32, #tpu.memory_space<hbm>>) dst(%arg7 : memref<640xi32, #tpu.memory_space<vmem>>)
          tpu.yield
        }) : () -> ()
        %dma_start3A = arith.constant 0 : i32
        %dma_start3A_26 = arith.constant 0 : i32
        %dma_start3A_27 = tpu.memref_slice %arg4[%dma_start3A, %dma_start3A_26] : memref<10000x128xf32, #tpu.memory_space<hbm>> -> memref<10000x128xf32, #tpu.memory_space<hbm>>
        tpu.enqueue_indirect_dma source(%dma_start3A_27 : memref<10000x128xf32, #tpu.memory_space<hbm>>) target(%arg9 : memref<640x128xf32, #tpu.memory_space<vmem>>) offsets(%arg7 : memref<640xi32, #tpu.memory_space<vmem>>) semaphore(%arg11 : memref<!tpu.dma_semaphore, #tpu.memory_space<semaphore_mem>>)
        "tpu.region"() ({
          %run_scoped3A = tpu.sem_alloc : memref<!tpu.dma_semaphore, #tpu.memory_space<semaphore_mem>>
          %dma_start3A_36 = tpu.memref_slice %arg3[%mul3A_25] : memref<320000xi32, #tpu.memory_space<hbm>> -> memref<640xi32, #tpu.memory_space<hbm>>
          %dma_start3A_37 = tpu.memref_slice %arg3[%mul3A_25] : memref<320000xi32, #tpu.memory_space<hbm>> -> memref<640xi32, #tpu.memory_space<hbm>>
          tpu.enqueue_dma source(%dma_start3A_37 : memref<640xi32, #tpu.memory_space<hbm>>) target(%arg8 : memref<640xi32, #tpu.memory_space<vmem>>) target_semaphore(%run_scoped3A : memref<!tpu.dma_semaphore, #tpu.memory_space<semaphore_mem>>)
          %dma_wait3A_38 = tpu.memref_slice %arg3[%mul3A_25] : memref<320000xi32, #tpu.memory_space<hbm>> -> memref<640xi32, #tpu.memory_space<hbm>>
          %dma_wait3A_39 = tpu.memref_slice %arg3[%mul3A_25] : memref<320000xi32, #tpu.memory_space<hbm>> -> memref<640xi32, #tpu.memory_space<hbm>>
          tpu.wait_dma2 semaphore(%run_scoped3A : memref<!tpu.dma_semaphore, #tpu.memory_space<semaphore_mem>>) src(%dma_wait3A_39 : memref<640xi32, #tpu.memory_space<hbm>>) dst(%arg8 : memref<640xi32, #tpu.memory_space<vmem>>)
          tpu.yield
        }) : () -> ()
        %scan3A_28 = arith.constant 0 : i32
        %scan3A_29 = arith.constant 0 : i32
        %scan3A_30 = arith.constant 40 : i32
        %scan3A_31 = arith.addi %scan3A_29, %scan3A_30 : i32
        %scan3A_32 = arith.constant 1 : i32
        scf.for %scan3A_36 = %scan3A_29 to %scan3A_31 step %scan3A_32  : i32 {
          %mul3A_37 = arith.constant 16 : i32
          %mul3A_38 = arith.muli %scan3A_36, %mul3A_37 : i32
          %get3A = arith.index_cast %mul3A_38 : i32 to index
          %get3A_39 = tpu.vector_load %arg8[%get3A] {strides = array<i32>} : memref<640xi32, #tpu.memory_space<vmem>>, vector<16xi32>,
          %get3A_40 = vector.shape_cast %get3A_39 : vector<16xi32> to vector<16xi32>
          %sub3A = vector.broadcast %mul3A_0 : i32 to vector<16xi32>
          %sub3A_41 = arith.subi %get3A_40, %sub3A : vector<16xi32>
          %ge3A = arith.constant 0 : i32
          %ge3A_42 = vector.broadcast %ge3A : i32 to vector<16xi32>
          %ge3A_43 = arith.cmpi sge, %sub3A_41, %ge3A_42 : vector<16xi32>
          %lt3A_44 = arith.constant 5000 : i32
          %lt3A_45 = vector.broadcast %lt3A_44 : i32 to vector<16xi32>
          %lt3A_46 = arith.cmpi slt, %sub3A_41, %lt3A_45 : vector<16xi32>
          %and3A = arith.andi %ge3A_43, %lt3A_46 : vector<16xi1>
          %and3A_47 = arith.constant 7 : i32
          %and3A_48 = vector.broadcast %and3A_47 : i32 to vector<16xi32>
          %and3A_49 = arith.andi %sub3A_41, %and3A_48 : vector<16xi32>
          %add3A_50 = arith.constant 5000 : i32
          %add3A_51 = vector.broadcast %add3A_50 : i32 to vector<16xi32>
          %add3A_52 = arith.addi %add3A_51, %and3A_49 : vector<16xi32>
          %select_n3A = arith.select %and3A, %sub3A_41, %add3A_52 : vector<16xi1>, vector<16xi32>
          %mul3A_53 = arith.constant 16 : i32
          %mul3A_54 = arith.muli %scan3A_36, %mul3A_53 : i32
          %swap3A = arith.index_cast %mul3A_54 : i32 to index
          %swap3A_55 = tpu.vector_load %arg8[%swap3A] {strides = array<i32>} : memref<640xi32, #tpu.memory_space<vmem>>, vector<16xi32>,
          %swap3A_56 = vector.shape_cast %swap3A_55 : vector<16xi32> to vector<16xi32>
          %swap3A_57 = vector.shape_cast %select_n3A : vector<16xi32> to vector<16xi32>
          tpu.vector_store %arg8[%swap3A], %swap3A_57 {strides = array<i32>} : memref<640xi32, #tpu.memory_space<vmem>>, vector<16xi32>,
        }
        %scan3A_33 = arith.constant 40 : i32
        %dma_wait3A = arith.constant 0 : i32
        %dma_wait3A_34 = arith.constant 0 : i32
        %dma_wait3A_35 = tpu.memref_slice %arg4[%dma_wait3A, %dma_wait3A_34] : memref<10000x128xf32, #tpu.memory_space<hbm>> -> memref<10000x128xf32, #tpu.memory_space<hbm>>
        tpu.wait_indirect_dma semaphore(%arg11 : memref<!tpu.dma_semaphore, #tpu.memory_space<semaphore_mem>>) src(%dma_wait3A_35 : memref<10000x128xf32, #tpu.memory_space<hbm>>) dst(%arg9 : memref<640x128xf32, #tpu.memory_space<vmem>>)
        "tpu.region"() ({
          %run_scoped3A = tpu.sem_alloc : memref<!tpu.dma_semaphore, #tpu.memory_space<semaphore_mem>>
          %dma_start3A_36 = arith.constant 0 : i32
          %dma_start3A_37 = arith.constant 0 : i32
          %dma_start3A_38 = tpu.memref_slice %arg10[%dma_start3A_36, %dma_start3A_37] : memref<5008x128xf32, #tpu.memory_space<vmem_shared>> -> memref<5008x128xf32, #tpu.memory_space<vmem_shared>>
          tpu.enqueue_indirect_dma source(%arg9 : memref<640x128xf32, #tpu.memory_space<vmem>>) target(%dma_start3A_38 : memref<5008x128xf32, #tpu.memory_space<vmem_shared>>) offsets(%arg8 : memref<640xi32, #tpu.memory_space<vmem>>) semaphore(%run_scoped3A : memref<!tpu.dma_semaphore, #tpu.memory_space<semaphore_mem>>) {add = true}
          %dma_wait3A_39 = arith.constant 0 : i32
          %dma_wait3A_40 = arith.constant 0 : i32
          %dma_wait3A_41 = tpu.memref_slice %arg10[%dma_wait3A_39, %dma_wait3A_40] : memref<5008x128xf32, #tpu.memory_space<vmem_shared>> -> memref<5008x128xf32, #tpu.memory_space<vmem_shared>>
          tpu.wait_indirect_dma semaphore(%run_scoped3A : memref<!tpu.dma_semaphore, #tpu.memory_space<semaphore_mem>>) src(%arg9 : memref<640x128xf32, #tpu.memory_space<vmem>>) dst(%dma_wait3A_41 : memref<5008x128xf32, #tpu.memory_space<vmem_shared>>)
          tpu.yield
        }) : () -> ()
      } else {
      }
    }
    %scan3A_9 = arith.constant 32 : i32
    %barrier3A_10 = arith.constant 0 : index
    tpu.barrier barrier_id(%barrier3A_10)
    %add3A = arith.addi %mul3A_0, %mul3A_2 : i32
    "tpu.region"() ({
      %run_scoped3A = tpu.sem_alloc : memref<!tpu.dma_semaphore, #tpu.memory_space<semaphore_mem>>
      %dma_start3A = arith.constant 0 : i32
      %dma_start3A_16 = tpu.memref_slice %arg6[%add3A, %dma_start3A] : memref<10000x128xf32, #tpu.memory_space<hbm>> -> memref<312x128xf32, #tpu.memory_space<hbm>>
      %dma_start3A_17 = arith.constant 0 : i32
      %dma_start3A_18 = tpu.memref_slice %arg10[%mul3A_2, %dma_start3A_17] : memref<5008x128xf32, #tpu.memory_space<vmem_shared>> -> memref<312x128xf32, #tpu.memory_space<vmem_shared>>
      tpu.enqueue_dma source(%dma_start3A_18 : memref<312x128xf32, #tpu.memory_space<vmem_shared>>) target(%dma_start3A_16 : memref<312x128xf32, #tpu.memory_space<hbm>>) target_semaphore(%run_scoped3A : memref<!tpu.dma_semaphore, #tpu.memory_space<semaphore_mem>>)
      %dma_wait3A = arith.constant 0 : i32
      %dma_wait3A_19 = tpu.memref_slice %arg6[%add3A, %dma_wait3A] : memref<10000x128xf32, #tpu.memory_space<hbm>> -> memref<312x128xf32, #tpu.memory_space<hbm>>
      %dma_wait3A_20 = arith.constant 0 : i32
      %dma_wait3A_21 = tpu.memref_slice %arg10[%mul3A_2, %dma_wait3A_20] : memref<5008x128xf32, #tpu.memory_space<vmem_shared>> -> memref<312x128xf32, #tpu.memory_space<vmem_shared>>
      tpu.wait_dma2 semaphore(%run_scoped3A : memref<!tpu.dma_semaphore, #tpu.memory_space<semaphore_mem>>) src(%dma_wait3A_21 : memref<312x128xf32, #tpu.memory_space<vmem_shared>>) dst(%dma_wait3A_19 : memref<312x128xf32, #tpu.memory_space<hbm>>)
      tpu.yield
    }) : () -> ()
    %eq3A_11 = arith.constant 0 : i32
    %eq3A_12 = arith.cmpi eq, %arg1, %eq3A_11 : i32
    %convert_element_type3A_13 = arith.extui %eq3A_12 : i1 to i32
    %cond3A_14 = arith.constant 0 : i32
    %cond3A_15 = arith.cmpi ne, %convert_element_type3A_13, %cond3A_14 : i32
    scf.if %cond3A_15 {
      %add3A_16 = arith.constant 4992 : i32
      %add3A_17 = arith.addi %mul3A_0, %add3A_16 : i32
      "tpu.region"() ({
        %run_scoped3A = tpu.sem_alloc : memref<!tpu.dma_semaphore, #tpu.memory_space<semaphore_mem>>
        %dma_start3A = arith.constant 0 : i32
        %dma_start3A_18 = tpu.memref_slice %arg6[%add3A_17, %dma_start3A] : memref<10000x128xf32, #tpu.memory_space<hbm>> -> memref<8x128xf32, #tpu.memory_space<hbm>>
        %dma_start3A_19 = arith.constant 4992 : i32
        %dma_start3A_20 = arith.constant 0 : i32
        %dma_start3A_21 = tpu.memref_slice %arg10[%dma_start3A_19, %dma_start3A_20] : memref<5008x128xf32, #tpu.memory_space<vmem_shared>> -> memref<8x128xf32, #tpu.memory_space<vmem_shared>>
        tpu.enqueue_dma source(%dma_start3A_21 : memref<8x128xf32, #tpu.memory_space<vmem_shared>>) target(%dma_start3A_18 : memref<8x128xf32, #tpu.memory_space<hbm>>) target_semaphore(%run_scoped3A : memref<!tpu.dma_semaphore, #tpu.memory_space<semaphore_mem>>)
        %dma_wait3A = arith.constant 0 : i32
        %dma_wait3A_22 = tpu.memref_slice %arg6[%add3A_17, %dma_wait3A] : memref<10000x128xf32, #tpu.memory_space<hbm>> -> memref<8x128xf32, #tpu.memory_space<hbm>>
        %dma_wait3A_23 = arith.constant 4992 : i32
        %dma_wait3A_24 = arith.constant 0 : i32
        %dma_wait3A_25 = tpu.memref_slice %arg10[%dma_wait3A_23, %dma_wait3A_24] : memref<5008x128xf32, #tpu.memory_space<vmem_shared>> -> memref<8x128xf32, #tpu.memory_space<vmem_shared>>
        tpu.wait_dma2 semaphore(%run_scoped3A : memref<!tpu.dma_semaphore, #tpu.memory_space<semaphore_mem>>) src(%dma_wait3A_25 : memref<8x128xf32, #tpu.memory_space<vmem_shared>>) dst(%dma_wait3A_22 : memref<8x128xf32, #tpu.memory_space<hbm>>)
        tpu.yield
      }) : () -> ()
    } else {
    }
    return
  }
}

module attributes {stable_mosaic.version = 14 : i64} {
  func.func @_prep_body(%arg0: i32, %arg1: memref<1000x128xf32, #tpu.memory_space<vmem>>, %arg2: memref<128x128xf32, #tpu.memory_space<vmem>>, %arg3: memref<1000x32xf32, #tpu.memory_space<vmem>>, %arg4: memref<1000x128xf32, #tpu.memory_space<vmem>>, %arg5: memref<1000x1xf32, #tpu.memory_space<vmem>>) attributes {dimension_semantics = [#tpu.dimension_semantics<arbitrary>], iteration_bounds = array<i64: 10>, scalar_prefetch = 0 : i64, scratch_operands = 0 : i64, tpu.core_type = #tpu.core_type<tc>, window_params = [{transform_indices = @transform_0, window_bounds = array<i64: 1000, 128>}, {pipeline_mode = #tpu.pipeline_mode<synchronous>, transform_indices = @transform_1, window_bounds = array<i64: 128, 128>}, {transform_indices = @transform_2, window_bounds = array<i64: 1000, 32>}, {transform_indices = @transform_3, window_bounds = array<i64: 1000, 128>}, {transform_indices = @transform_4, window_bounds = array<i64: 1000, 1>}]} {
    %get3A = arith.constant 0 : index
    %get3A_0 = arith.constant 0 : index
    %get3A_1 = vector.load %arg3[%get3A, %get3A_0] : memref<1000x32xf32, #tpu.memory_space<vmem>>, vector<1000x32xf32>
    %reduce_sum3A = arith.constant dense<0.000000e+00> : vector<1000xf32>
    %reduce_sum3A_2 = vector.multi_reduction <add>, %get3A_1, %reduce_sum3A [1] : vector<1000x32xf32> to vector<1000xf32>
    %broadcast_in_dim3A = vector.shape_cast %reduce_sum3A_2 : vector<1000xf32> to vector<1000x1xf32>
    %add3A = arith.constant 1.000000e+00 : f32
    %add3A_3 = vector.broadcast %add3A : f32 to vector<1000x1xf32>
    %add3A_4 = arith.addf %broadcast_in_dim3A, %add3A_3 : vector<1000x1xf32>
    %rsqrt3A = math.rsqrt %add3A_4 : vector<1000x1xf32>
    %get3A_5 = arith.constant 0 : index
    %get3A_6 = arith.constant 0 : index
    %get3A_7 = vector.load %arg1[%get3A_5, %get3A_6] : memref<1000x128xf32, #tpu.memory_space<vmem>>, vector<1000x128xf32>
    %get3A_8 = arith.constant 0 : index
    %get3A_9 = arith.constant 0 : index
    %get3A_10 = vector.load %arg2[%get3A_8, %get3A_9] : memref<128x128xf32, #tpu.memory_space<vmem>>, vector<128x128xf32>
    %dot_general3A = arith.constant dense<0.000000e+00> : vector<1000x128xf32>
    %dot_general3A_11 = tpu.matmul %get3A_7, %get3A_10, %dot_general3A {dimension_numbers = #tpu.dot_dimension_numbers<[1], [0], [0], [1], [0, 0, 1, 1], [], []>, transpose_lhs_hint = false} : vector<1000x128xf32>, vector<128x128xf32>, vector<1000x128xf32> -> vector<1000x128xf32>
    %mul3A = vector.broadcast %rsqrt3A : vector<1000x1xf32> to vector<1000x128xf32>
    %mul3A_12 = arith.mulf %dot_general3A_11, %mul3A : vector<1000x128xf32>
    %swap3A = arith.constant 0 : index
    %swap3A_13 = arith.constant 0 : index
    %swap3A_14 = vector.load %arg4[%swap3A, %swap3A_13] : memref<1000x128xf32, #tpu.memory_space<vmem>>, vector<1000x128xf32>
    tpu.vector_store %arg4[%swap3A, %swap3A_13], %mul3A_12 {strides = array<i32>} : memref<1000x128xf32, #tpu.memory_space<vmem>>, vector<1000x128xf32>,
    %swap3A_15 = arith.constant 0 : index
    %swap3A_16 = arith.constant 0 : index
    %swap3A_17 = vector.load %arg5[%swap3A_15, %swap3A_16] : memref<1000x1xf32, #tpu.memory_space<vmem>>, vector<1000x1xf32>
    tpu.vector_store %arg5[%swap3A_15, %swap3A_16], %rsqrt3A {strides = array<i32>} : memref<1000x1xf32, #tpu.memory_space<vmem>>, vector<1000x1xf32>,
    return
  }
  func.func @transform_0(%arg0: i32) -> (i32, i32) {
    %c0_i32 = arith.constant 0 : i32
    %c0_i32_0 = arith.constant 0 : i32
    return %arg0, %c0_i32 : i32, i32
  }
  func.func @transform_1(%arg0: i32) -> (i32, i32) {
    %c0_i32 = arith.constant 0 : i32
    %c0_i32_0 = arith.constant 0 : i32
    %c0_i32_1 = arith.constant 0 : i32
    return %c0_i32, %c0_i32_0 : i32, i32
  }
  func.func @transform_2(%arg0: i32) -> (i32, i32) {
    %c0_i32 = arith.constant 0 : i32
    %c0_i32_0 = arith.constant 0 : i32
    return %arg0, %c0_i32 : i32, i32
  }
  func.func @transform_3(%arg0: i32) -> (i32, i32) {
    %c0_i32 = arith.constant 0 : i32
    %c0_i32_0 = arith.constant 0 : i32
    return %arg0, %c0_i32 : i32, i32
  }
  func.func @transform_4(%arg0: i32) -> (i32, i32) {
    %c0_i32 = arith.constant 0 : i32
    %c0_i32_0 = arith.constant 0 : i32
    return %arg0, %c0_i32 : i32, i32
  }
}

module attributes {stable_mosaic.version = 14 : i64} {
  func.func @_mid_body(%arg0: i32, %arg1: memref<1000x128xf32, #tpu.memory_space<vmem>>, %arg2: memref<1000x128xf32, #tpu.memory_space<vmem>>, %arg3: memref<1000x1xf32, #tpu.memory_space<vmem>>, %arg4: memref<128x128xf32, #tpu.memory_space<vmem>>, %arg5: memref<1x128xf32, #tpu.memory_space<vmem>>, %arg6: memref<1000x128xf32, #tpu.memory_space<vmem>>) attributes {dimension_semantics = [#tpu.dimension_semantics<arbitrary>], iteration_bounds = array<i64: 10>, scalar_prefetch = 0 : i64, scratch_operands = 0 : i64, tpu.core_type = #tpu.core_type<tc>, window_params = [{transform_indices = @transform_0, window_bounds = array<i64: 1000, 128>}, {transform_indices = @transform_1, window_bounds = array<i64: 1000, 128>}, {transform_indices = @transform_2, window_bounds = array<i64: 1000, 1>}, {pipeline_mode = #tpu.pipeline_mode<synchronous>, transform_indices = @transform_3, window_bounds = array<i64: 128, 128>}, {pipeline_mode = #tpu.pipeline_mode<synchronous>, transform_indices = @transform_4, window_bounds = array<i64: 1, 128>}, {transform_indices = @transform_5, window_bounds = array<i64: 1000, 128>}]} {
    %get3A = arith.constant 0 : index
    %get3A_0 = arith.constant 0 : index
    %get3A_1 = vector.load %arg1[%get3A, %get3A_0] : memref<1000x128xf32, #tpu.memory_space<vmem>>, vector<1000x128xf32>
    %get3A_2 = arith.constant 0 : index
    %get3A_3 = arith.constant 0 : index
    %get3A_4 = vector.load %arg2[%get3A_2, %get3A_3] : memref<1000x128xf32, #tpu.memory_space<vmem>>, vector<1000x128xf32>
    %add3A = arith.addf %get3A_1, %get3A_4 : vector<1000x128xf32>
    %get3A_5 = arith.constant 0 : index
    %get3A_6 = arith.constant 0 : index
    %get3A_7 = vector.load %arg3[%get3A_5, %get3A_6] : memref<1000x1xf32, #tpu.memory_space<vmem>>, vector<1000x1xf32>
    %mul3A = vector.broadcast %get3A_7 : vector<1000x1xf32> to vector<1000x128xf32>
    %mul3A_8 = arith.mulf %add3A, %mul3A : vector<1000x128xf32>
    %get3A_9 = arith.constant 0 : index
    %get3A_10 = arith.constant 0 : index
    %get3A_11 = vector.load %arg5[%get3A_9, %get3A_10] : memref<1x128xf32, #tpu.memory_space<vmem>>, vector<1x128xf32>
    %add3A_12 = vector.broadcast %get3A_11 : vector<1x128xf32> to vector<1000x128xf32>
    %add3A_13 = arith.addf %mul3A_8, %add3A_12 : vector<1000x128xf32>
    %max3A = arith.constant 0.000000e+00 : f32
    %max3A_14 = vector.broadcast %max3A : f32 to vector<1000x128xf32>
    %max3A_15 = arith.maximumf %add3A_13, %max3A_14 : vector<1000x128xf32>
    %get3A_16 = arith.constant 0 : index
    %get3A_17 = arith.constant 0 : index
    %get3A_18 = vector.load %arg4[%get3A_16, %get3A_17] : memref<128x128xf32, #tpu.memory_space<vmem>>, vector<128x128xf32>
    %dot_general3A = arith.constant dense<0.000000e+00> : vector<1000x128xf32>
    %dot_general3A_19 = tpu.matmul %max3A_15, %get3A_18, %dot_general3A {dimension_numbers = #tpu.dot_dimension_numbers<[1], [0], [0], [1], [0, 0, 1, 1], [], []>, transpose_lhs_hint = false} : vector<1000x128xf32>, vector<128x128xf32>, vector<1000x128xf32> -> vector<1000x128xf32>
    %mul3A_20 = vector.broadcast %get3A_7 : vector<1000x1xf32> to vector<1000x128xf32>
    %mul3A_21 = arith.mulf %dot_general3A_19, %mul3A_20 : vector<1000x128xf32>
    %swap3A = arith.constant 0 : index
    %swap3A_22 = arith.constant 0 : index
    %swap3A_23 = vector.load %arg6[%swap3A, %swap3A_22] : memref<1000x128xf32, #tpu.memory_space<vmem>>, vector<1000x128xf32>
    tpu.vector_store %arg6[%swap3A, %swap3A_22], %mul3A_21 {strides = array<i32>} : memref<1000x128xf32, #tpu.memory_space<vmem>>, vector<1000x128xf32>,
    return
  }
  func.func @transform_0(%arg0: i32) -> (i32, i32) {
    %c0_i32 = arith.constant 0 : i32
    %c0_i32_0 = arith.constant 0 : i32
    return %arg0, %c0_i32 : i32, i32
  }
  func.func @transform_1(%arg0: i32) -> (i32, i32) {
    %c0_i32 = arith.constant 0 : i32
    %c0_i32_0 = arith.constant 0 : i32
    return %arg0, %c0_i32 : i32, i32
  }
  func.func @transform_2(%arg0: i32) -> (i32, i32) {
    %c0_i32 = arith.constant 0 : i32
    %c0_i32_0 = arith.constant 0 : i32
    return %arg0, %c0_i32 : i32, i32
  }
  func.func @transform_3(%arg0: i32) -> (i32, i32) {
    %c0_i32 = arith.constant 0 : i32
    %c0_i32_0 = arith.constant 0 : i32
    %c0_i32_1 = arith.constant 0 : i32
    return %c0_i32, %c0_i32_0 : i32, i32
  }
  func.func @transform_4(%arg0: i32) -> (i32, i32) {
    %c0_i32 = arith.constant 0 : i32
    %c0_i32_0 = arith.constant 0 : i32
    %c0_i32_1 = arith.constant 0 : i32
    return %c0_i32, %c0_i32_0 : i32, i32
  }
  func.func @transform_5(%arg0: i32) -> (i32, i32) {
    %c0_i32 = arith.constant 0 : i32
    %c0_i32_0 = arith.constant 0 : i32
    return %arg0, %c0_i32 : i32, i32
  }
}

module attributes {stable_mosaic.version = 14 : i64} {
  func.func @_fin_body(%arg0: i32, %arg1: memref<1000x128xf32, #tpu.memory_space<vmem>>, %arg2: memref<1000x128xf32, #tpu.memory_space<vmem>>, %arg3: memref<1000x1xf32, #tpu.memory_space<vmem>>, %arg4: memref<1x128xf32, #tpu.memory_space<vmem>>, %arg5: memref<1000x128xf32, #tpu.memory_space<vmem>>) attributes {dimension_semantics = [#tpu.dimension_semantics<arbitrary>], iteration_bounds = array<i64: 10>, scalar_prefetch = 0 : i64, scratch_operands = 0 : i64, tpu.core_type = #tpu.core_type<tc>, window_params = [{transform_indices = @transform_0, window_bounds = array<i64: 1000, 128>}, {transform_indices = @transform_1, window_bounds = array<i64: 1000, 128>}, {transform_indices = @transform_2, window_bounds = array<i64: 1000, 1>}, {pipeline_mode = #tpu.pipeline_mode<synchronous>, transform_indices = @transform_3, window_bounds = array<i64: 1, 128>}, {transform_indices = @transform_4, window_bounds = array<i64: 1000, 128>}]} {
    %get3A = arith.constant 0 : index
    %get3A_0 = arith.constant 0 : index
    %get3A_1 = vector.load %arg1[%get3A, %get3A_0] : memref<1000x128xf32, #tpu.memory_space<vmem>>, vector<1000x128xf32>
    %get3A_2 = arith.constant 0 : index
    %get3A_3 = arith.constant 0 : index
    %get3A_4 = vector.load %arg2[%get3A_2, %get3A_3] : memref<1000x128xf32, #tpu.memory_space<vmem>>, vector<1000x128xf32>
    %add3A = arith.addf %get3A_1, %get3A_4 : vector<1000x128xf32>
    %get3A_5 = arith.constant 0 : index
    %get3A_6 = arith.constant 0 : index
    %get3A_7 = vector.load %arg3[%get3A_5, %get3A_6] : memref<1000x1xf32, #tpu.memory_space<vmem>>, vector<1000x1xf32>
    %mul3A = vector.broadcast %get3A_7 : vector<1000x1xf32> to vector<1000x128xf32>
    %mul3A_8 = arith.mulf %add3A, %mul3A : vector<1000x128xf32>
    %get3A_9 = arith.constant 0 : index
    %get3A_10 = arith.constant 0 : index
    %get3A_11 = vector.load %arg4[%get3A_9, %get3A_10] : memref<1x128xf32, #tpu.memory_space<vmem>>, vector<1x128xf32>
    %add3A_12 = vector.broadcast %get3A_11 : vector<1x128xf32> to vector<1000x128xf32>
    %add3A_13 = arith.addf %mul3A_8, %add3A_12 : vector<1000x128xf32>
    %swap3A = arith.constant 0 : index
    %swap3A_14 = arith.constant 0 : index
    %swap3A_15 = vector.load %arg5[%swap3A, %swap3A_14] : memref<1000x128xf32, #tpu.memory_space<vmem>>, vector<1000x128xf32>
    tpu.vector_store %arg5[%swap3A, %swap3A_14], %add3A_13 {strides = array<i32>} : memref<1000x128xf32, #tpu.memory_space<vmem>>, vector<1000x128xf32>,
    return
  }
  func.func @transform_0(%arg0: i32) -> (i32, i32) {
    %c0_i32 = arith.constant 0 : i32
    %c0_i32_0 = arith.constant 0 : i32
    return %arg0, %c0_i32 : i32, i32
  }
  func.func @transform_1(%arg0: i32) -> (i32, i32) {
    %c0_i32 = arith.constant 0 : i32
    %c0_i32_0 = arith.constant 0 : i32
    return %arg0, %c0_i32 : i32, i32
  }
  func.func @transform_2(%arg0: i32) -> (i32, i32) {
    %c0_i32 = arith.constant 0 : i32
    %c0_i32_0 = arith.constant 0 : i32
    return %arg0, %c0_i32 : i32, i32
  }
  func.func @transform_3(%arg0: i32) -> (i32, i32) {
    %c0_i32 = arith.constant 0 : i32
    %c0_i32_0 = arith.constant 0 : i32
    %c0_i32_1 = arith.constant 0 : i32
    return %c0_i32, %c0_i32_0 : i32, i32
  }
  func.func @transform_4(%arg0: i32) -> (i32, i32) {
    %c0_i32 = arith.constant 0 : i32
    %c0_i32_0 = arith.constant 0 : i32
    return %arg0, %c0_i32 : i32, i32
  }
}

</mosaic_0001>

<sc_bundles>
// kernel: kernel.11.cloned.1.call-start
scs
__scs_entry_jumppad:
0x0: {  	(pc) =	sbr.rel $0x88, $3  }
0x1: {  	(tag) =	ssettag $0x0;
	lr =	simm.s32 $0x1  }
0x2: {  	[smem:$0x3F9B] =	sst lr;
	_ =	strace $0xD0000000  }
0x3: {  	_ = 	snop  }
0x4: {  	_ = 	snop  }
0x5: {  	_ = 	snop  }
0x6: {  	_ = 	snop  }
0x7: {  	_ = 	snop  }
__scs_overlays_trampoline_lowered:
0x8: {  	[smem:$0x3FAA] =	sst s0  }
0x9: {  	[smem:$0x3FAB] =	sst s1  }
0xa: {  	[smem:$0x3FAC] =	sst s2  }
0xb: {  	[smem:$0x3FAD] =	sst s3  }
0xc: {  	[smem:$0x3FAE] =	sst s4  }
0xd: {  	[smem:$0x3FAF] =	sst s5  }
0xe: {  	[smem:$0x3FB0] =	sst s6  }
0xf: {  	[smem:$0x3FB1] =	sst s7  }
0x10: {  	[smem:$0x3FB2] =	sst s8  }
0x11: {  	[smem:$0x3FB3] =	sst s9;
	s0 =	simm.s32 @!p0 $0x0  }
0x12: {  	s1 =	sld [smem:$0x3F99];
	s0 =	simm.s32 @p0 $0x1  }
0x13: {  	[smem:$0x3FB4] =	sst s0;
	s0 =	simm.s32 @!p1 $0x0  }
0x14: {  	s2 =	sld [smem:$0x3F98];
	s0 =	simm.s32 @p1 $0x1  }
0x15: {  	[smem:$0x3FB5] =	sst s0;
	s0 =	simm.s32 @!p2 $0x0  }
0x16: {  	s3 =	sld [smem:$0x3FDB];
	s0 =	simm.s32 @p2 $0x1  }
0x17: {  	s4 =	simm.s32 $0x1BF5;
	[smem:$0x3FB7] =	sst s0  }
0x18: {  	s0 =	sld [smem:$0x3F9A];
	_ =	swait.ge [sflag:s4], $0x0  }
0x19: {  	s7 =	sld [smem:$0x3F9B]  }
0x1a: {  	s8 =	sadd.s32 $0xFFFFE003, lr  }
0x1b: {  	s9 =	sadd.s32 $0xFFFFFEF7, lr;
	s5 =	simm.s32 $0xFFFFFFFF;
	p2 =	slt.u32 s8, $0xFFFFF086  }
0x1c: {  	p1 =	slt.u32 s9, $0xF7A;
	s5 =	simm.s32 @!p2 $0x0  }
0x1d: {  	s5 =	simm.s32 @p1 $0x1;
	p0 =	seq.s32 s7, s2  }
0x1e: {  	s7 =	smul.u32 @!p0 $0xF7A, s2;
	p2 =	seq.s32 @!p0 s5, $0x0  }
0x1f: {  	s9 =	smul.u32 $0xF7A, s1;
	s8 =	simm.s32 @!p0 $0x1BF5;
	p2 =	por !p2, p0  }
0x20: {  	[sflag:s8] =	ssyncset.s32 @!p0 $0xFFFFF086;
	s6 =	sadd.s32 @!p0 s3, s7;
	s7 =	simm.s32 @!p0 $0x108  }
0x21: {  	s3 =	sadd.s32 s3, s9;
	s6 =	sadd.s32 @!p0 $0x88, s6;
	s7 =	simm.s32 @p2 $0x1082  }
0x22: {  	[simem:s7], [sflag:s8] =	dma.local @!p0 [hbm:s6], $0xF7A  }
0x23: {  	s9 =	sor.u32 $0xD0000000, s2;
	s6 =	simm.s32 $0x108;
	_ =	swait.ge @!p0 [sflag:s8], $0x0  }
0x24: {  	s3 =	sadd.s32 $0x88, s3;
	s6 =	simm.s32 @!p1 $0x1082;
	[sflag:s4] =	ssyncset.s32 $0xFFFFF086  }
0x25: {  	[simem:s6], [sflag:s4] =	dma.local [hbm:s3], $0xF7A  }
0x26: {  	[smem:$0x3F9B] =	sst s1;
	(tag) =	ssettag s2;
	_ =	strace s9  }
0x27: {  	s1 =	sld [smem:$0x3FAB]  }
0x28: {  	s2 =	sld [smem:$0x3FAC]  }
0x29: {  	s4 =	sld [smem:$0x3FAE]  }
0x2a: {  	p0 =	seq.s32 s5, $0x0;
	s5 =	sld [smem:$0x3FAF]  }
0x2b: {  	s6 =	sld [smem:$0x3FB0]  }
0x2c: {  	s7 =	sld [smem:$0x3FB1]  }
0x2d: {  	s3 =	simm.s32 $0x108;
	s8 =	sld [smem:$0x3FB2]  }
0x2e: {  	s3 =	simm.s32 @!p0 $0x1082;
	s9 =	sld [smem:$0x3FB3]  }
0x2f: {  	lr =	sadd.s32 s0, s3;
	s0 =	sld [smem:$0x3FAA]  }
0x30: {  	s3 =	sld [smem:$0x3FAD]  }
0x31: {  	[smem:$0x3FB6] =	sst s10  }
0x32: {  	s10 =	sld [smem:$0x3FB4];
	_ =	sdelay $0x3  }
0x33: {  	p0 =	seq.s32 s10, $0x1;
	s10 =	sld [smem:$0x3FB6];
	_ =	sdelay $0x3  }
0x34: {  	[smem:$0x3FB6] =	sst s10  }
0x35: {  	s10 =	sld [smem:$0x3FB5];
	_ =	sdelay $0x3  }
0x36: {  	p1 =	seq.s32 s10, $0x1;
	s10 =	sld [smem:$0x3FB6];
	_ =	sdelay $0x3  }
0x37: {  	[smem:$0x3FB6] =	sst s10  }
0x38: {  	s10 =	sld [smem:$0x3FB7]  }
0x39: {  	_ = 	snop;
	(pc) =	sbr.ind lr, $3  }
0x3a: {  	_ = 	snop  }
0x3b: {  	_ = 	snop  }
0x3c: {  	p2 =	seq.s32 s10, $0x1;
	s10 =	sld [smem:$0x3FB6]  }
0x3d: {  	_ =	shalt  }
0x3e: {  	_ =	shalt  }
0x3f: {  	_ =	shalt  }
0x40: {  	_ =	shalt  }
0x41: {  	_ =	shalt  }
0x42: {  	_ =	shalt  }
0x43: {  	_ =	shalt  }
0x44: {  	_ =	shalt  }
0x45: {  	_ =	shalt  }
0x46: {  	_ =	shalt  }
0x47: {  	_ =	shalt  }
0x48: {  	_ =	shalt  }
0x49: {  	_ =	shalt  }
0x4a: {  	_ =	shalt  }
0x4b: {  	_ =	shalt  }
0x4c: {  	_ =	shalt  }
0x4d: {  	_ =	shalt  }
0x4e: {  	_ =	shalt  }
0x4f: {  	_ =	shalt  }
0x50: {  	_ =	shalt  }
0x51: {  	_ =	shalt  }
0x52: {  	_ =	shalt  }
0x53: {  	_ =	shalt  }
0x54: {  	_ =	shalt  }
0x55: {  	_ =	shalt  }
0x56: {  	_ =	shalt  }
0x57: {  	_ =	shalt  }
0x58: {  	_ =	shalt  }
0x59: {  	_ =	shalt  }
0x5a: {  	_ =	shalt  }
0x5b: {  	_ =	shalt  }
0x5c: {  	_ =	shalt  }
0x5d: {  	_ =	shalt  }
0x5e: {  	_ =	shalt  }
0x5f: {  	_ =	shalt  }
0x60: {  	_ =	shalt  }
0x61: {  	_ =	shalt  }
0x62: {  	_ =	shalt  }
0x63: {  	_ =	shalt  }
0x64: {  	_ =	shalt  }
0x65: {  	_ =	shalt  }
0x66: {  	_ =	shalt  }
0x67: {  	_ =	shalt  }
0x68: {  	_ =	shalt  }
0x69: {  	_ =	shalt  }
0x6a: {  	_ =	shalt  }
0x6b: {  	_ =	shalt  }
0x6c: {  	_ =	shalt  }
0x6d: {  	_ =	shalt  }
0x6e: {  	_ =	shalt  }
0x6f: {  	_ =	shalt  }
0x70: {  	_ =	shalt  }
0x71: {  	_ =	shalt  }
0x72: {  	_ =	shalt  }
0x73: {  	_ =	shalt  }
0x74: {  	_ =	shalt  }
0x75: {  	_ =	shalt  }
0x76: {  	_ =	shalt  }
0x77: {  	_ =	shalt  }
0x78: {  	_ =	shalt  }
0x79: {  	_ =	shalt  }
0x7a: {  	_ =	shalt  }
0x7b: {  	_ =	shalt  }
0x7c: {  	_ =	shalt  }
0x7d: {  	_ =	shalt  }
0x7e: {  	_ =	shalt  }
0x7f: {  	_ =	shalt  }
0x80: {  	_ =	shalt  }
0x81: {  	_ =	shalt  }
0x82: {  	_ =	shalt  }
0x83: {  	_ =	shalt  }
0x84: {  	_ =	shalt  }
0x85: {  	_ =	shalt  }
0x86: {  	_ =	shalt  }
0x87: {  	_ =	shalt  }
.Lfunc_end0:
.L_simem_size_0:
called_computation.1_lowered:
.L_overlay_start_0:
0x88: {  	s2 =	sld [smem:$0x3FD9]  }
0x89: {  	s3 =	sld [smem:$0x3FFE];
	_ =	sdelay $0x1  }
0x8a: {  	s1 =	srdreg.scid  }
0x8b: {  	s0 =	sand.u32 $0x1, s1  }
0x8c: {  	s17 =	sshll.u32 s0, $0xA;
	s2 =	sadd.s32 s3, s2  }
0x8d: {  	s2 =	sadd.s32 s2, s17  }
0x8e: {  	[smem:$0x3FC2] =	sst s2  }
0x8f: {  	_ = 	snop  }
0x90: {  	s2 =	sld [smem:$0x3FD0];
	(tm) =	ssettm $0x1  }
0x91: {  	s18 =	sld [smem:$0x3FFB];
	_ =	sdelay $0x3  }
0x92: {  	_ =	strace s18  }
0x93: {  	s3 =	sld [smem:$0x3FFC];
	_ =	sdelay $0x3  }
0x94: {  	_ =	strace s3  }
0x95: {  	s3 =	sld [smem:$0x3FFD];
	_ =	sdelay $0x3  }
0x96: {  	_ =	strace s3  }
0x97: {  	_ =	strace $0x8FFFFFFF  }
0x98: {  	s19 =	sld [smem:$0x3FDB];
	_ =	sdelay $0x1  }
0x99: {  	s4 =	simm.s32 $_scs_section_size  }
0x9a: {  	s5 =	simm.s32 $_size__tile_overlayer_lowered;
	s6 =	simm.s32 $_tile_overlayer_lowered  }
0x9b: {  	s22 =	simm.s32 $0x1BFF;
	s21 =	sshll.u32 s6, $0x1;
	s3 =	sadd.s32 s4, s19  }
0x9c: {  	s7 =	simm.s32 $0x0;
	s20 =	sshll.u32 s5, $0x1;
	s5 =	sadd.s32 s21, s3  }
0x9d: {  	[timem:s7], [sflag:s22] =	dma.local [hbm:s5], s20  }
0x9e: {  	_ =	swait.ge [sflag:s22], s20  }
0x9f: {  	s4 =	ssub.s32 $0x0, s20;
	[sflag:s22] =	ssyncset.done $0x0  }
0xa0: {  	[sflag:s22] =	ssyncadd.s32 s4;
	_ =	sdelay $0x1  }
0xa1: {  	s23 =	simm.s32 $0x1B8B  }
0xa2: {  	_ =	swait.ge [sflag:s23], $0x1  }
0xa3: {  	[sflag:s23] =	ssyncset.done $0x0  }
0xa4: {  	s25 =	simm.s32 $0x1B8E;
	s24 =	sld [smem:$0x3FFE];
	[sflag:s23] =	ssyncadd.s32 $0xFFFFFFFF  }
0xa5: {  	s26 =	simm.s32 $execute0_lowered;
	[smem:$0x3FD2] =	sst s25  }
0xa6: {  	s5 =	sshll.u32 s26, $0x1;
	_ =	strace $0x80000049;
	[dreg:$0x1] =	wrdreg $0xFFFFFFFF  }
0xa7: {  	s28 =	simm.s32 $_size_execute0_lowered;
	s3 =	sadd.s32 s3, s5;
	[dreg:$0x0] =	wrdreg $0x0  }
0xa8: {  	s5 =	sshll.u32 s28, $0x1;
	[dreg:$0x2] =	wrdreg s3  }
0xa9: {  	[dreg:$0x3] =	wrdreg s5  }
0xaa: {  	[dreg:$0x4] =	wrdreg $0xC0  }
0xab: {  	_ =	task [dreg:s7], $0x5FFFF  }
0xac: {  	[dreg:$0x1] =	wrdreg $0xFFFFFFFF  }
0xad: {  	[dreg:$0x0] =	wrdreg $0x60  }
0xae: {  	[dreg:$0x2] =	wrdreg s24  }
0xaf: {  	[dreg:$0x3] =	wrdreg s2  }
0xb0: {  	[dreg:$0x4] =	wrdreg $0x145000  }
0xb1: {  	[dreg:$0x5] =	wrdreg $0x9  }
0xb2: {  	_ =	task.clear_ibuf [dreg:s7], $0x6FFFF;
	_ =	strace $0x90000049  }
0xb3: {  	s29 =	simm.s32 $0x9;
	_ =	strace $0x8000004B  }
0xb4: {  	_ =	swait.ge [sflag:s29], $0x1  }
0xb5: {  	[sflag:s29] =	ssyncadd.s32 $0xFFFFFFFF  }
0xb6: {  	_ =	strace $0x9000004B  }
0xb7: {  	_ =	sfence  }
0xb8: {  	s30 =	sld [smem:$0x0];
	_ =	sdelay $0x2  }
0xb9: {  	s31 =	sshll.u32 s1, $0xD;
	s1 =	sshrl.u32 s1, $0x2  }
0xba: {  	s3 =	sand.u32 $0x4000, s31;
	s1 =	sadd.s32 s1, s30  }
0xbb: {  	s0 =	sor.u32 s3, s0;
	s1 =	sshll.u32 s1, $0x11  }
0xbc: {  	s0 =	sor.u32 s1, s0  }
0xbd: {  	s0 =	sadd.s32 $0x8F2B, s0  }
0xbe: {  	[sflag:s0] =	ssyncadd.remote.s32 $0x1  }
0xbf: {  	_ =	sfence.sel $0xFFFF  }
0xc0: {  	[dreg:$0x0] =	wrdreg $0xFFFFFFFF;
	(pc) =	sbr.abs _section_cstart, $3  }
0xc1: {  	[dreg:$0x1] =	wrdreg $0xFFFFFFFF  }
0xc2: {  	_ =	task.clear_ibuf [dreg:s7], $0x2FFFF;
	_ =	strace $0x9FFFFFFF  }
0xc3: {  	(tm) =	ssettm $0x7FFFFFFF  }
tec
execute0_lowered:
.L_overlay_start_1:
0x0: {  	(tag) =	ssettag $0x1  }
0x1: {  	s9 =	rddreg [dreg:$0x0]  }
0x2: {  	s1 =	rddreg [dreg:$0x1]  }
0x3: {  	s2 =	rddreg [dreg:$0x2]  }
0x4: {  	s0 =	rddreg [dreg:$0x3]  }
0x5: {  	s3 =	simm.s32 $0x0;
	s4 =	stileid.u32;
	s5 =	srdreg.scid  }
0x6: {  	s18 =	simm.s32 $0x500;
	s19 =	simm.s32 $0x1;
	s23 =	simm.s32 $0x0  }
0x7: {  	[smem:$0x7FF] =	sst s3;
	s7 =	smul.u32 $0x1380, s4;
	s8 =	sand.u32 $0x1, s5  }
0x8: {  	s5 =	sadd.s32 $0x2200, s9;
	s6 =	sadd.s32 $0xC000, s9;
	s11 =	smul.u32 $0x27000, s4  }
0x9: {  	s12 =	sadd.s32 $0x5A400, s9;
	s14 =	smul.u32 $0x138, s4;
	s30 =	sshll.u32 s4, $0x6  }
0xa: {  	s16 =	sadd.s32 $0x9C000, s2;
	p0 =	sne.s32 s4, $0x0;
	s17 =	smul.u32 $0x1388, s8  }
0xb: {  	_ =	strace $0x8000004A;
	s10 =	ssub.s32 $0x2, s8;
	s29 =	smul.u32 $0x9C400, s8  }
0xc: {  	s8 =	sor.u32 $0x1C02, s30;
	s7 =	sadd.s32 s7, s9;
	s13 =	sshrl.u32 s10, $0x1  }
0xd: {  	s28 =	sshrl.u32 s11, $0x2;
	s9 =	sadd.s32 $0x46A00, s9;
	s13 =	ssub.s32 s10, s13  }
.Ltmp0:
0xe: {  	s15 =	sadd.s32 s28, s2;
	s7 =	sadd.s32 $0x33200, s7;
	(pc) =	sbr.rel .LBB2_1-.Ltmp0, $4  }
0xf: {  	s31 =	sadd.s32 s14, s17;
	s11 =	sshrl.u32 s29, $0x3;
	s14 =	simm.s32 $0x2  }
0x10: {  	v0 =	vmov s17;
	s17 =	simm.s32 $0x280;
	s10 =	sshll.u32 s31, $0x4;
	s11 =	sadd.s32 s12, s11  }
0x11: {  	s10 =	sadd.s32 s12, s10;
	s11 =	sadd.s32 $0x13800, s11;
	s12 =	smax.u32 s13, $0x1  }
0x12: {  	s13 =	sshrl.u32 s15, $0x3;
	s15 =	sshrl.u32 @!p0 s16, $0x3;
	s16 =	simm.s32 $0x3  }
.LBB2_7:
0x13: {  	[bflag:$0x0] =	sbarrier.arrive $0xFFFF  }
0x14: {  	[hbm:s10], [sflag:s8] =	dma.local [spmem:s13], $0x1380  }
0x15: {  	s3 =	sadd.s32 $0x1, s3;
	_ =	swait.ge [sflag:s14], $0x1380  }
0x16: {  	p1 =	sne.s32 s3, s12;
	[sflag:s14] =	ssyncset.done $0x0  }
.Ltmp1:
0x17: {  	s20 =	simm.s32 @!p0 $0x2;
	[sflag:s14] =	ssyncadd.s32 $0xFFFFEC80;
	(pc) =	sbr.rel @!p1 .LBB2_8-.Ltmp1, $4  }
0x18: {  	[hbm:s11], [sflag:s8] =	dma.local @!p0 [spmem:s15], $0x80  }
0x19: {  	_ =	swait.ge @!p0 [sflag:s20], $0x80  }
0x1a: {  	[sflag:s20] =	ssyncset.done @!p0 $0x0  }
0x1b: {  	[sflag:s20] =	ssyncadd.s32 @!p0 $0xFFFFFF80  }
.LBB2_1:
0x1c: {  	[spmem:s13], [sflag:s8] =	dma.local [hbm:s7], $0x1380  }
0x1d: {  	_ =	swait.ge [sflag:s14], $0x1380  }
0x1e: {  	[sflag:s14] =	ssyncset.done $0x0  }
0x1f: {  	s20 =	simm.s32 @!p0 $0x2;
	[sflag:s14] =	ssyncadd.s32 $0xFFFFEC80  }
0x20: {  	[spmem:s15], [sflag:s8] =	dma.local @!p0 [hbm:s9], $0x100  }
.Ltmp2:
0x21: {  	_ =	swait.ge @!p0 [sflag:s20], $0x100;
	(pc) =	sbr.rel .LBB2_2-.Ltmp2, $4  }
0x22: {  	[sflag:s20] =	ssyncset.done @!p0 $0x0  }
0x23: {  	[sflag:s20] =	ssyncadd.s32 @!p0 $0xFFFFFF00  }
0x24: {  	[bflag:$0x0] =	sbarrier.arrive $0xFFFF  }
0x25: {  	s20 =	simm.s32 $0x0  }
.LBB2_6:
0x26: {  	s20 =	sadd.s32 $0x1, s20  }
0x27: {  	p1 =	sne.s32 s20, $0x20  }
.Ltmp3:
0x28: {  	_ = 	snop;
	(pc) =	sbr.rel @!p1 .LBB2_7-.Ltmp3, $1  }
0x29: {  	_ =	sdelay $0x3  }
.LBB2_2:
0x2a: {  	s21 =	sshll.u32 s20, $0x4  }
0x2b: {  	s21 =	sor.u32 s4, s21  }
0x2c: {  	p1 =	sgt.u32 s21, $0x1F3  }
.Ltmp4:
0x2d: {  	_ = 	snop;
	(pc) =	sbr.rel @p1 .LBB2_6-.Ltmp4, $1  }
0x2e: {  	_ =	sdelay $0x3  }
0x2f: {  	s21 =	smul.u32 $0x50, s21;
	_ =	sdelay $0x1  }
0x30: {  	s22 =	sadd.s32 s5, s21  }
0x31: {  	[tilespmem:s23], [sflag:$0x3] =	stream.linear.gather [hbm4b:s22+s23], $0x280, $0x38;
	[tilespmem:$0x1E180] =	vst v63  }
0x32: {  	_ =	swait.ge [sflag:s16], $0x280  }
0x33: {  	[sflag:s16] =	ssyncset.done $0x0  }
0x34: {  	[sflag:s16] =	ssyncadd.s32 $0xFFFFFD80  }
0x35: {  	[tilespmem:s18], [sflag:$0x1] =	stream.indirect.gather [hbm4b:s6+s17], $0x80, s23, s17, $0xb8;
	[tilespmem:$0x1E180] =	vst v63  }
0x36: {  	s21 =	sadd.s32 s1, s21  }
0x37: {  	[tilespmem:s17], [sflag:$0x3] =	stream.linear.gather [hbm4b:s21+s23], $0x280, $0x38;
	[tilespmem:$0x1E180] =	vst v63  }
0x38: {  	_ =	swait.ge [sflag:s16], $0x280  }
0x39: {  	[sflag:s16] =	ssyncset.done $0x0  }
0x3a: {  	s22 =	simm.s32 $0x40;
	s21 =	simm.s32 $0x0;
	[sflag:s16] =	ssyncadd.s32 $0xFFFFFD80  }
.LBB2_4:
0x3b: {  	p1 =	sne.s32 s22, $0x9C0;
	v1 =	vld [tilespmem:s21+$0x280];
	_ =	sdelay $0x3  }
.Ltmp5:
0x3c: {  	(pc) =	sbr.rel @p1 .LBB2_4-.Ltmp5, $4  }
0x3d: {  	v2 =	vsub.s32 v1, v0;
	v1 =	vand.u32 $0x7, v1  }
0x3e: {  	vm0 =	vlt.u32 v2, $0x1388;
	v1 =	vor.u32 $0x1388, v1  }
0x3f: {  	v1 =	vsel vm0, v2, v1  }
0x40: {  	[tilespmem:s21+$0x280] =	vst v1;
	s21 =	sshra.s32 s22, $0x2;
	s22 =	sadd.s32 $0x40, s22  }
0x41: {  	v1 =	vld [tilespmem:s21+$0x280];
	_ =	sdelay $0x4  }
0x42: {  	v2 =	vsub.s32 v1, v0;
	v1 =	vand.u32 $0x7, v1  }
0x43: {  	vm0 =	vlt.u32 v2, $0x1388;
	v1 =	vor.u32 $0x1388, v1  }
0x44: {  	v1 =	vsel vm0, v2, v1  }
0x45: {  	[tilespmem:s21+$0x280] =	vst v1  }
0x46: {  	_ =	swait.ge [sflag:s19], $0x14000  }
0x47: {  	[sflag:s19] =	ssyncset.done $0x0  }
.Ltmp6:
0x48: {  	[sflag:s19] =	ssyncadd.s32 $0xFFFEC000;
	(pc) =	sbr.rel .LBB2_6-.Ltmp6, $4  }
0x49: {  	[spmem:s2] =	stream.indirect.scatter.add.f32 [tilespmem:s18], [sflag:$0x2], $0x80, s17, s17, $0xb8;
	[tilespmem:$0x1E180] =	vst v63  }
0x4a: {  	_ =	swait.ge [sflag:s14], $0x14000  }
0x4b: {  	[sflag:s14] =	ssyncset.done $0x0  }
0x4c: {  	[sflag:s14] =	ssyncadd.s32 $0xFFFEC000  }
.LBB2_8:
0x4d: {  	_ =	sfence.sel $0x180000  }
0x4e: {  	[bflag:$0x0] =	sbarrier.arrive $0xFFFF  }
0x4f: {  	_ =	strace $0x9000004A  }
0x50: {  	s0 =	sadd.s32 @!p0 $0x100000, s0;
	[bflag:$0x2] =	sbarrier.arrive $0xFFFF  }
0x51: {  	[sflag:s0] =	ssyncadd.tile.s32 @!p0 $0x1;
	_ =	shalt  }
.Lfunc_end2:
_tile_overlayer_lowered:
.L_overlay_start_2:
0x52: {  	(tag) =	ssettag $0x2  }
0x53: {  	s0 =	rddreg [dreg:$0x0];
	s2 =	stileid.u32  }
0x54: {  	s1 =	rddreg [dreg:$0x1];
	p0 =	sne.s32 s2, $0x0  }
0x55: {  	s3 =	rddreg [dreg:$0x2];
	[bflag:$0x3] =	sbarrier.arrive $0xFFFF;
	s2 =	simm.s32 @!p0 $0x1C02  }
0x56: {  	[timem:s3], [sflag:s2] =	dma.local @!p0 [hbm:s0], s1  }
0x57: {  	s0 =	simm.s32 @!p0 $0x2  }
0x58: {  	_ =	swait.ge @!p0 [sflag:s0], s1  }
0x59: {  	s1 =	ssub.s32 @!p0 $0x0, s1;
	[sflag:s0] =	ssyncset.done @!p0 $0x0  }
0x5a: {  	[sflag:s0] =	ssyncadd.s32 @!p0 s1  }
0x5b: {  	[bflag:$0x3] =	sbarrier.arrive $0xFFFF  }
0x5c: {  	_ =	shalt  }

// kernel: kernel.14.cloned.1.call-start
scs
__scs_entry_jumppad:
0x0: {  	(pc) =	sbr.rel $0x88, $3  }
0x1: {  	(tag) =	ssettag $0x0;
	lr =	simm.s32 $0x1  }
0x2: {  	[smem:$0x3F9B] =	sst lr;
	_ =	strace $0xD0000000  }
0x3: {  	_ = 	snop  }
0x4: {  	_ = 	snop  }
0x5: {  	_ = 	snop  }
0x6: {  	_ = 	snop  }
0x7: {  	_ = 	snop  }
__scs_overlays_trampoline_lowered:
0x8: {  	[smem:$0x3FAA] =	sst s0  }
0x9: {  	[smem:$0x3FAB] =	sst s1  }
0xa: {  	[smem:$0x3FAC] =	sst s2  }
0xb: {  	[smem:$0x3FAD] =	sst s3  }
0xc: {  	[smem:$0x3FAE] =	sst s4  }
0xd: {  	[smem:$0x3FAF] =	sst s5  }
0xe: {  	[smem:$0x3FB0] =	sst s6  }
0xf: {  	[smem:$0x3FB1] =	sst s7  }
0x10: {  	[smem:$0x3FB2] =	sst s8  }
0x11: {  	[smem:$0x3FB3] =	sst s9;
	s0 =	simm.s32 @!p0 $0x0  }
0x12: {  	s1 =	sld [smem:$0x3F99];
	s0 =	simm.s32 @p0 $0x1  }
0x13: {  	[smem:$0x3FB4] =	sst s0;
	s0 =	simm.s32 @!p1 $0x0  }
0x14: {  	s2 =	sld [smem:$0x3F98];
	s0 =	simm.s32 @p1 $0x1  }
0x15: {  	[smem:$0x3FB5] =	sst s0;
	s0 =	simm.s32 @!p2 $0x0  }
0x16: {  	s3 =	sld [smem:$0x3FDB];
	s0 =	simm.s32 @p2 $0x1  }
0x17: {  	s4 =	simm.s32 $0x1BF5;
	[smem:$0x3FB7] =	sst s0  }
0x18: {  	s0 =	sld [smem:$0x3F9A];
	_ =	swait.ge [sflag:s4], $0x0  }
0x19: {  	s7 =	sld [smem:$0x3F9B]  }
0x1a: {  	s8 =	sadd.s32 $0xFFFFE003, lr  }
0x1b: {  	s9 =	sadd.s32 $0xFFFFFEF7, lr;
	s5 =	simm.s32 $0xFFFFFFFF;
	p2 =	slt.u32 s8, $0xFFFFF086  }
0x1c: {  	p1 =	slt.u32 s9, $0xF7A;
	s5 =	simm.s32 @!p2 $0x0  }
0x1d: {  	s5 =	simm.s32 @p1 $0x1;
	p0 =	seq.s32 s7, s2  }
0x1e: {  	s7 =	smul.u32 @!p0 $0xF7A, s2;
	p2 =	seq.s32 @!p0 s5, $0x0  }
0x1f: {  	s9 =	smul.u32 $0xF7A, s1;
	s8 =	simm.s32 @!p0 $0x1BF5;
	p2 =	por !p2, p0  }
0x20: {  	[sflag:s8] =	ssyncset.s32 @!p0 $0xFFFFF086;
	s6 =	sadd.s32 @!p0 s3, s7;
	s7 =	simm.s32 @!p0 $0x108  }
0x21: {  	s3 =	sadd.s32 s3, s9;
	s6 =	sadd.s32 @!p0 $0x88, s6;
	s7 =	simm.s32 @p2 $0x1082  }
0x22: {  	[simem:s7], [sflag:s8] =	dma.local @!p0 [hbm:s6], $0xF7A  }
0x23: {  	s9 =	sor.u32 $0xD0000000, s2;
	s6 =	simm.s32 $0x108;
	_ =	swait.ge @!p0 [sflag:s8], $0x0  }
0x24: {  	s3 =	sadd.s32 $0x88, s3;
	s6 =	simm.s32 @!p1 $0x1082;
	[sflag:s4] =	ssyncset.s32 $0xFFFFF086  }
0x25: {  	[simem:s6], [sflag:s4] =	dma.local [hbm:s3], $0xF7A  }
0x26: {  	[smem:$0x3F9B] =	sst s1;
	(tag) =	ssettag s2;
	_ =	strace s9  }
0x27: {  	s1 =	sld [smem:$0x3FAB]  }
0x28: {  	s2 =	sld [smem:$0x3FAC]  }
0x29: {  	s4 =	sld [smem:$0x3FAE]  }
0x2a: {  	p0 =	seq.s32 s5, $0x0;
	s5 =	sld [smem:$0x3FAF]  }
0x2b: {  	s6 =	sld [smem:$0x3FB0]  }
0x2c: {  	s7 =	sld [smem:$0x3FB1]  }
0x2d: {  	s3 =	simm.s32 $0x108;
	s8 =	sld [smem:$0x3FB2]  }
0x2e: {  	s3 =	simm.s32 @!p0 $0x1082;
	s9 =	sld [smem:$0x3FB3]  }
0x2f: {  	lr =	sadd.s32 s0, s3;
	s0 =	sld [smem:$0x3FAA]  }
0x30: {  	s3 =	sld [smem:$0x3FAD]  }
0x31: {  	[smem:$0x3FB6] =	sst s10  }
0x32: {  	s10 =	sld [smem:$0x3FB4];
	_ =	sdelay $0x3  }
0x33: {  	p0 =	seq.s32 s10, $0x1;
	s10 =	sld [smem:$0x3FB6];
	_ =	sdelay $0x3  }
0x34: {  	[smem:$0x3FB6] =	sst s10  }
0x35: {  	s10 =	sld [smem:$0x3FB5];
	_ =	sdelay $0x3  }
0x36: {  	p1 =	seq.s32 s10, $0x1;
	s10 =	sld [smem:$0x3FB6];
	_ =	sdelay $0x3  }
0x37: {  	[smem:$0x3FB6] =	sst s10  }
0x38: {  	s10 =	sld [smem:$0x3FB7]  }
0x39: {  	_ = 	snop;
	(pc) =	sbr.ind lr, $3  }
0x3a: {  	_ = 	snop  }
0x3b: {  	_ = 	snop  }
0x3c: {  	p2 =	seq.s32 s10, $0x1;
	s10 =	sld [smem:$0x3FB6]  }
0x3d: {  	_ =	shalt  }
0x3e: {  	_ =	shalt  }
0x3f: {  	_ =	shalt  }
0x40: {  	_ =	shalt  }
0x41: {  	_ =	shalt  }
0x42: {  	_ =	shalt  }
0x43: {  	_ =	shalt  }
0x44: {  	_ =	shalt  }
0x45: {  	_ =	shalt  }
0x46: {  	_ =	shalt  }
0x47: {  	_ =	shalt  }
0x48: {  	_ =	shalt  }
0x49: {  	_ =	shalt  }
0x4a: {  	_ =	shalt  }
0x4b: {  	_ =	shalt  }
0x4c: {  	_ =	shalt  }
0x4d: {  	_ =	shalt  }
0x4e: {  	_ =	shalt  }
0x4f: {  	_ =	shalt  }
0x50: {  	_ =	shalt  }
0x51: {  	_ =	shalt  }
0x52: {  	_ =	shalt  }
0x53: {  	_ =	shalt  }
0x54: {  	_ =	shalt  }
0x55: {  	_ =	shalt  }
0x56: {  	_ =	shalt  }
0x57: {  	_ =	shalt  }
0x58: {  	_ =	shalt  }
0x59: {  	_ =	shalt  }
0x5a: {  	_ =	shalt  }
0x5b: {  	_ =	shalt  }
0x5c: {  	_ =	shalt  }
0x5d: {  	_ =	shalt  }
0x5e: {  	_ =	shalt  }
0x5f: {  	_ =	shalt  }
0x60: {  	_ =	shalt  }
0x61: {  	_ =	shalt  }
0x62: {  	_ =	shalt  }
0x63: {  	_ =	shalt  }
0x64: {  	_ =	shalt  }
0x65: {  	_ =	shalt  }
0x66: {  	_ =	shalt  }
0x67: {  	_ =	shalt  }
0x68: {  	_ =	shalt  }
0x69: {  	_ =	shalt  }
0x6a: {  	_ =	shalt  }
0x6b: {  	_ =	shalt  }
0x6c: {  	_ =	shalt  }
0x6d: {  	_ =	shalt  }
0x6e: {  	_ =	shalt  }
0x6f: {  	_ =	shalt  }
0x70: {  	_ =	shalt  }
0x71: {  	_ =	shalt  }
0x72: {  	_ =	shalt  }
0x73: {  	_ =	shalt  }
0x74: {  	_ =	shalt  }
0x75: {  	_ =	shalt  }
0x76: {  	_ =	shalt  }
0x77: {  	_ =	shalt  }
0x78: {  	_ =	shalt  }
0x79: {  	_ =	shalt  }
0x7a: {  	_ =	shalt  }
0x7b: {  	_ =	shalt  }
0x7c: {  	_ =	shalt  }
0x7d: {  	_ =	shalt  }
0x7e: {  	_ =	shalt  }
0x7f: {  	_ =	shalt  }
0x80: {  	_ =	shalt  }
0x81: {  	_ =	shalt  }
0x82: {  	_ =	shalt  }
0x83: {  	_ =	shalt  }
0x84: {  	_ =	shalt  }
0x85: {  	_ =	shalt  }
0x86: {  	_ =	shalt  }
0x87: {  	_ =	shalt  }
.Lfunc_end0:
.L_simem_size_0:
called_computation.2_lowered:
.L_overlay_start_0:
0x88: {  	s2 =	sld [smem:$0x3FD9]  }
0x89: {  	s3 =	sld [smem:$0x3FFE];
	_ =	sdelay $0x1  }
0x8a: {  	s1 =	srdreg.scid  }
0x8b: {  	s0 =	sand.u32 $0x1, s1  }
0x8c: {  	s17 =	sshll.u32 s0, $0xA;
	s2 =	sadd.s32 s3, s2  }
0x8d: {  	s2 =	sadd.s32 s2, s17  }
0x8e: {  	[smem:$0x3FC2] =	sst s2  }
0x8f: {  	_ = 	snop  }
0x90: {  	s2 =	sld [smem:$0x3FD0];
	(tm) =	ssettm $0x1  }
0x91: {  	s18 =	sld [smem:$0x3FFB];
	_ =	sdelay $0x3  }
0x92: {  	_ =	strace s18  }
0x93: {  	s3 =	sld [smem:$0x3FFC];
	_ =	sdelay $0x3  }
0x94: {  	_ =	strace s3  }
0x95: {  	s3 =	sld [smem:$0x3FFD];
	_ =	sdelay $0x3  }
0x96: {  	_ =	strace s3  }
0x97: {  	_ =	strace $0x8FFFFFFF  }
0x98: {  	s19 =	sld [smem:$0x3FDB];
	_ =	sdelay $0x1  }
0x99: {  	s4 =	simm.s32 $_scs_section_size  }
0x9a: {  	s5 =	simm.s32 $_size__tile_overlayer_lowered;
	s6 =	simm.s32 $_tile_overlayer_lowered  }
0x9b: {  	s22 =	simm.s32 $0x1BFF;
	s21 =	sshll.u32 s6, $0x1;
	s3 =	sadd.s32 s4, s19  }
0x9c: {  	s7 =	simm.s32 $0x0;
	s20 =	sshll.u32 s5, $0x1;
	s5 =	sadd.s32 s21, s3  }
0x9d: {  	[timem:s7], [sflag:s22] =	dma.local [hbm:s5], s20  }
0x9e: {  	_ =	swait.ge [sflag:s22], s20  }
0x9f: {  	s4 =	ssub.s32 $0x0, s20;
	[sflag:s22] =	ssyncset.done $0x0  }
0xa0: {  	[sflag:s22] =	ssyncadd.s32 s4;
	_ =	sdelay $0x1  }
0xa1: {  	s23 =	simm.s32 $0x1B8B  }
0xa2: {  	_ =	swait.ge [sflag:s23], $0x1  }
0xa3: {  	[sflag:s23] =	ssyncset.done $0x0  }
0xa4: {  	s25 =	simm.s32 $0x1B8E;
	s24 =	sld [smem:$0x3FFE];
	[sflag:s23] =	ssyncadd.s32 $0xFFFFFFFF  }
0xa5: {  	s26 =	simm.s32 $execute0_lowered;
	[smem:$0x3FD2] =	sst s25  }
0xa6: {  	s5 =	sshll.u32 s26, $0x1;
	_ =	strace $0x8000004C;
	[dreg:$0x1] =	wrdreg $0xFFFFFFFF  }
0xa7: {  	s28 =	simm.s32 $_size_execute0_lowered;
	s3 =	sadd.s32 s3, s5;
	[dreg:$0x0] =	wrdreg $0x0  }
0xa8: {  	s5 =	sshll.u32 s28, $0x1;
	[dreg:$0x2] =	wrdreg s3  }
0xa9: {  	[dreg:$0x3] =	wrdreg s5  }
0xaa: {  	[dreg:$0x4] =	wrdreg $0xC0  }
0xab: {  	_ =	task [dreg:s7], $0x5FFFF  }
0xac: {  	[dreg:$0x1] =	wrdreg $0xFFFFFFFF  }
0xad: {  	[dreg:$0x0] =	wrdreg $0x60  }
0xae: {  	[dreg:$0x2] =	wrdreg s24  }
0xaf: {  	[dreg:$0x3] =	wrdreg s2  }
0xb0: {  	[dreg:$0x4] =	wrdreg $0x145000  }
0xb1: {  	[dreg:$0x5] =	wrdreg $0x9  }
0xb2: {  	_ =	task.clear_ibuf [dreg:s7], $0x6FFFF;
	_ =	strace $0x9000004C  }
0xb3: {  	s29 =	simm.s32 $0x9;
	_ =	strace $0x8000004E  }
0xb4: {  	_ =	swait.ge [sflag:s29], $0x1  }
0xb5: {  	[sflag:s29] =	ssyncadd.s32 $0xFFFFFFFF  }
0xb6: {  	_ =	strace $0x9000004E  }
0xb7: {  	_ =	sfence  }
0xb8: {  	s30 =	sld [smem:$0x0];
	_ =	sdelay $0x2  }
0xb9: {  	s31 =	sshll.u32 s1, $0xD;
	s1 =	sshrl.u32 s1, $0x2  }
0xba: {  	s3 =	sand.u32 $0x4000, s31;
	s1 =	sadd.s32 s1, s30  }
0xbb: {  	s0 =	sor.u32 s3, s0;
	s1 =	sshll.u32 s1, $0x11  }
0xbc: {  	s0 =	sor.u32 s1, s0  }
0xbd: {  	s0 =	sadd.s32 $0x8F2B, s0  }
0xbe: {  	[sflag:s0] =	ssyncadd.remote.s32 $0x1  }
0xbf: {  	_ =	sfence.sel $0xFFFF  }
0xc0: {  	[dreg:$0x0] =	wrdreg $0xFFFFFFFF;
	(pc) =	sbr.abs _section_cstart, $3  }
0xc1: {  	[dreg:$0x1] =	wrdreg $0xFFFFFFFF  }
0xc2: {  	_ =	task.clear_ibuf [dreg:s7], $0x2FFFF;
	_ =	strace $0x9FFFFFFF  }
0xc3: {  	(tm) =	ssettm $0x7FFFFFFF  }
tec
execute0_lowered:
.L_overlay_start_1:
0x0: {  	(tag) =	ssettag $0x1  }
0x1: {  	s9 =	rddreg [dreg:$0x0]  }
0x2: {  	s1 =	rddreg [dreg:$0x1]  }
0x3: {  	s2 =	rddreg [dreg:$0x2]  }
0x4: {  	s0 =	rddreg [dreg:$0x3]  }
0x5: {  	s3 =	simm.s32 $0x0;
	s4 =	stileid.u32;
	s5 =	srdreg.scid  }
0x6: {  	s18 =	simm.s32 $0x500;
	s19 =	simm.s32 $0x1;
	s23 =	simm.s32 $0x0  }
0x7: {  	[smem:$0x7FF] =	sst s3;
	s7 =	smul.u32 $0x1380, s4;
	s8 =	sand.u32 $0x1, s5  }
0x8: {  	s5 =	sadd.s32 $0x2200, s9;
	s6 =	sadd.s32 $0xC000, s9;
	s11 =	smul.u32 $0x27000, s4  }
0x9: {  	s12 =	sadd.s32 $0x5A400, s9;
	s14 =	smul.u32 $0x138, s4;
	s30 =	sshll.u32 s4, $0x6  }
0xa: {  	s16 =	sadd.s32 $0x9C000, s2;
	p0 =	sne.s32 s4, $0x0;
	s17 =	smul.u32 $0x1388, s8  }
0xb: {  	_ =	strace $0x8000004D;
	s10 =	ssub.s32 $0x2, s8;
	s29 =	smul.u32 $0x9C400, s8  }
0xc: {  	s8 =	sor.u32 $0x1C02, s30;
	s7 =	sadd.s32 s7, s9;
	s13 =	sshrl.u32 s10, $0x1  }
0xd: {  	s28 =	sshrl.u32 s11, $0x2;
	s9 =	sadd.s32 $0x46A00, s9;
	s13 =	ssub.s32 s10, s13  }
.Ltmp0:
0xe: {  	s15 =	sadd.s32 s28, s2;
	s7 =	sadd.s32 $0x33200, s7;
	(pc) =	sbr.rel .LBB2_1-.Ltmp0, $4  }
0xf: {  	s31 =	sadd.s32 s14, s17;
	s11 =	sshrl.u32 s29, $0x3;
	s14 =	simm.s32 $0x2  }
0x10: {  	v0 =	vmov s17;
	s17 =	simm.s32 $0x280;
	s10 =	sshll.u32 s31, $0x4;
	s11 =	sadd.s32 s12, s11  }
0x11: {  	s10 =	sadd.s32 s12, s10;
	s11 =	sadd.s32 $0x13800, s11;
	s12 =	smax.u32 s13, $0x1  }
0x12: {  	s13 =	sshrl.u32 s15, $0x3;
	s15 =	sshrl.u32 @!p0 s16, $0x3;
	s16 =	simm.s32 $0x3  }
.LBB2_7:
0x13: {  	[bflag:$0x0] =	sbarrier.arrive $0xFFFF  }
0x14: {  	[hbm:s10], [sflag:s8] =	dma.local [spmem:s13], $0x1380  }
0x15: {  	s3 =	sadd.s32 $0x1, s3;
	_ =	swait.ge [sflag:s14], $0x1380  }
0x16: {  	p1 =	sne.s32 s3, s12;
	[sflag:s14] =	ssyncset.done $0x0  }
.Ltmp1:
0x17: {  	s20 =	simm.s32 @!p0 $0x2;
	[sflag:s14] =	ssyncadd.s32 $0xFFFFEC80;
	(pc) =	sbr.rel @!p1 .LBB2_8-.Ltmp1, $4  }
0x18: {  	[hbm:s11], [sflag:s8] =	dma.local @!p0 [spmem:s15], $0x80  }
0x19: {  	_ =	swait.ge @!p0 [sflag:s20], $0x80  }
0x1a: {  	[sflag:s20] =	ssyncset.done @!p0 $0x0  }
0x1b: {  	[sflag:s20] =	ssyncadd.s32 @!p0 $0xFFFFFF80  }
.LBB2_1:
0x1c: {  	[spmem:s13], [sflag:s8] =	dma.local [hbm:s7], $0x1380  }
0x1d: {  	_ =	swait.ge [sflag:s14], $0x1380  }
0x1e: {  	[sflag:s14] =	ssyncset.done $0x0  }
0x1f: {  	s20 =	simm.s32 @!p0 $0x2;
	[sflag:s14] =	ssyncadd.s32 $0xFFFFEC80  }
0x20: {  	[spmem:s15], [sflag:s8] =	dma.local @!p0 [hbm:s9], $0x100  }
.Ltmp2:
0x21: {  	_ =	swait.ge @!p0 [sflag:s20], $0x100;
	(pc) =	sbr.rel .LBB2_2-.Ltmp2, $4  }
0x22: {  	[sflag:s20] =	ssyncset.done @!p0 $0x0  }
0x23: {  	[sflag:s20] =	ssyncadd.s32 @!p0 $0xFFFFFF00  }
0x24: {  	[bflag:$0x0] =	sbarrier.arrive $0xFFFF  }
0x25: {  	s20 =	simm.s32 $0x0  }
.LBB2_6:
0x26: {  	s20 =	sadd.s32 $0x1, s20  }
0x27: {  	p1 =	sne.s32 s20, $0x20  }
.Ltmp3:
0x28: {  	_ = 	snop;
	(pc) =	sbr.rel @!p1 .LBB2_7-.Ltmp3, $1  }
0x29: {  	_ =	sdelay $0x3  }
.LBB2_2:
0x2a: {  	s21 =	sshll.u32 s20, $0x4  }
0x2b: {  	s21 =	sor.u32 s4, s21  }
0x2c: {  	p1 =	sgt.u32 s21, $0x1F3  }
.Ltmp4:
0x2d: {  	_ = 	snop;
	(pc) =	sbr.rel @p1 .LBB2_6-.Ltmp4, $1  }
0x2e: {  	_ =	sdelay $0x3  }
0x2f: {  	s21 =	smul.u32 $0x50, s21;
	_ =	sdelay $0x1  }
0x30: {  	s22 =	sadd.s32 s5, s21  }
0x31: {  	[tilespmem:s23], [sflag:$0x3] =	stream.linear.gather [hbm4b:s22+s23], $0x280, $0x38;
	[tilespmem:$0x1E180] =	vst v63  }
0x32: {  	_ =	swait.ge [sflag:s16], $0x280  }
0x33: {  	[sflag:s16] =	ssyncset.done $0x0  }
0x34: {  	[sflag:s16] =	ssyncadd.s32 $0xFFFFFD80  }
0x35: {  	[tilespmem:s18], [sflag:$0x1] =	stream.indirect.gather [hbm4b:s6+s17], $0x80, s23, s17, $0xb8;
	[tilespmem:$0x1E180] =	vst v63  }
0x36: {  	s21 =	sadd.s32 s1, s21  }
0x37: {  	[tilespmem:s17], [sflag:$0x3] =	stream.linear.gather [hbm4b:s21+s23], $0x280, $0x38;
	[tilespmem:$0x1E180] =	vst v63  }
0x38: {  	_ =	swait.ge [sflag:s16], $0x280  }
0x39: {  	[sflag:s16] =	ssyncset.done $0x0  }
0x3a: {  	s22 =	simm.s32 $0x40;
	s21 =	simm.s32 $0x0;
	[sflag:s16] =	ssyncadd.s32 $0xFFFFFD80  }
.LBB2_4:
0x3b: {  	p1 =	sne.s32 s22, $0x9C0;
	v1 =	vld [tilespmem:s21+$0x280];
	_ =	sdelay $0x3  }
.Ltmp5:
0x3c: {  	(pc) =	sbr.rel @p1 .LBB2_4-.Ltmp5, $4  }
0x3d: {  	v2 =	vsub.s32 v1, v0;
	v1 =	vand.u32 $0x7, v1  }
0x3e: {  	vm0 =	vlt.u32 v2, $0x1388;
	v1 =	vor.u32 $0x1388, v1  }
0x3f: {  	v1 =	vsel vm0, v2, v1  }
0x40: {  	[tilespmem:s21+$0x280] =	vst v1;
	s21 =	sshra.s32 s22, $0x2;
	s22 =	sadd.s32 $0x40, s22  }
0x41: {  	v1 =	vld [tilespmem:s21+$0x280];
	_ =	sdelay $0x4  }
0x42: {  	v2 =	vsub.s32 v1, v0;
	v1 =	vand.u32 $0x7, v1  }
0x43: {  	vm0 =	vlt.u32 v2, $0x1388;
	v1 =	vor.u32 $0x1388, v1  }
0x44: {  	v1 =	vsel vm0, v2, v1  }
0x45: {  	[tilespmem:s21+$0x280] =	vst v1  }
0x46: {  	_ =	swait.ge [sflag:s19], $0x14000  }
0x47: {  	[sflag:s19] =	ssyncset.done $0x0  }
.Ltmp6:
0x48: {  	[sflag:s19] =	ssyncadd.s32 $0xFFFEC000;
	(pc) =	sbr.rel .LBB2_6-.Ltmp6, $4  }
0x49: {  	[spmem:s2] =	stream.indirect.scatter.add.f32 [tilespmem:s18], [sflag:$0x2], $0x80, s17, s17, $0xb8;
	[tilespmem:$0x1E180] =	vst v63  }
0x4a: {  	_ =	swait.ge [sflag:s14], $0x14000  }
0x4b: {  	[sflag:s14] =	ssyncset.done $0x0  }
0x4c: {  	[sflag:s14] =	ssyncadd.s32 $0xFFFEC000  }
.LBB2_8:
0x4d: {  	_ =	sfence.sel $0x180000  }
0x4e: {  	[bflag:$0x0] =	sbarrier.arrive $0xFFFF  }
0x4f: {  	_ =	strace $0x9000004D  }
0x50: {  	s0 =	sadd.s32 @!p0 $0x100000, s0;
	[bflag:$0x2] =	sbarrier.arrive $0xFFFF  }
0x51: {  	[sflag:s0] =	ssyncadd.tile.s32 @!p0 $0x1;
	_ =	shalt  }
.Lfunc_end2:
_tile_overlayer_lowered:
.L_overlay_start_2:
0x52: {  	(tag) =	ssettag $0x2  }
0x53: {  	s0 =	rddreg [dreg:$0x0];
	s2 =	stileid.u32  }
0x54: {  	s1 =	rddreg [dreg:$0x1];
	p0 =	sne.s32 s2, $0x0  }
0x55: {  	s3 =	rddreg [dreg:$0x2];
	[bflag:$0x3] =	sbarrier.arrive $0xFFFF;
	s2 =	simm.s32 @!p0 $0x1C02  }
0x56: {  	[timem:s3], [sflag:s2] =	dma.local @!p0 [hbm:s0], s1  }
0x57: {  	s0 =	simm.s32 @!p0 $0x2  }
0x58: {  	_ =	swait.ge @!p0 [sflag:s0], s1  }
0x59: {  	s1 =	ssub.s32 @!p0 $0x0, s1;
	[sflag:s0] =	ssyncset.done @!p0 $0x0  }
0x5a: {  	[sflag:s0] =	ssyncadd.s32 @!p0 s1  }
0x5b: {  	[bflag:$0x3] =	sbarrier.arrive $0xFFFF  }
0x5c: {  	_ =	shalt  }

// kernel: kernel.8.cloned.1.call-start
scs
__scs_entry_jumppad:
0x0: {  	(pc) =	sbr.rel $0x88, $3  }
0x1: {  	(tag) =	ssettag $0x0;
	lr =	simm.s32 $0x1  }
0x2: {  	[smem:$0x3F9B] =	sst lr;
	_ =	strace $0xD0000000  }
0x3: {  	_ = 	snop  }
0x4: {  	_ = 	snop  }
0x5: {  	_ = 	snop  }
0x6: {  	_ = 	snop  }
0x7: {  	_ = 	snop  }
__scs_overlays_trampoline_lowered:
0x8: {  	[smem:$0x3FAA] =	sst s0  }
0x9: {  	[smem:$0x3FAB] =	sst s1  }
0xa: {  	[smem:$0x3FAC] =	sst s2  }
0xb: {  	[smem:$0x3FAD] =	sst s3  }
0xc: {  	[smem:$0x3FAE] =	sst s4  }
0xd: {  	[smem:$0x3FAF] =	sst s5  }
0xe: {  	[smem:$0x3FB0] =	sst s6  }
0xf: {  	[smem:$0x3FB1] =	sst s7  }
0x10: {  	[smem:$0x3FB2] =	sst s8  }
0x11: {  	[smem:$0x3FB3] =	sst s9;
	s0 =	simm.s32 @!p0 $0x0  }
0x12: {  	s1 =	sld [smem:$0x3F99];
	s0 =	simm.s32 @p0 $0x1  }
0x13: {  	[smem:$0x3FB4] =	sst s0;
	s0 =	simm.s32 @!p1 $0x0  }
0x14: {  	s2 =	sld [smem:$0x3F98];
	s0 =	simm.s32 @p1 $0x1  }
0x15: {  	[smem:$0x3FB5] =	sst s0;
	s0 =	simm.s32 @!p2 $0x0  }
0x16: {  	s3 =	sld [smem:$0x3FDB];
	s0 =	simm.s32 @p2 $0x1  }
0x17: {  	s4 =	simm.s32 $0x1BF5;
	[smem:$0x3FB7] =	sst s0  }
0x18: {  	s0 =	sld [smem:$0x3F9A];
	_ =	swait.ge [sflag:s4], $0x0  }
0x19: {  	s7 =	sld [smem:$0x3F9B]  }
0x1a: {  	s8 =	sadd.s32 $0xFFFFE003, lr  }
0x1b: {  	s9 =	sadd.s32 $0xFFFFFEF7, lr;
	s5 =	simm.s32 $0xFFFFFFFF;
	p2 =	slt.u32 s8, $0xFFFFF086  }
0x1c: {  	p1 =	slt.u32 s9, $0xF7A;
	s5 =	simm.s32 @!p2 $0x0  }
0x1d: {  	s5 =	simm.s32 @p1 $0x1;
	p0 =	seq.s32 s7, s2  }
0x1e: {  	s7 =	smul.u32 @!p0 $0xF7A, s2;
	p2 =	seq.s32 @!p0 s5, $0x0  }
0x1f: {  	s9 =	smul.u32 $0xF7A, s1;
	s8 =	simm.s32 @!p0 $0x1BF5;
	p2 =	por !p2, p0  }
0x20: {  	[sflag:s8] =	ssyncset.s32 @!p0 $0xFFFFF086;
	s6 =	sadd.s32 @!p0 s3, s7;
	s7 =	simm.s32 @!p0 $0x108  }
0x21: {  	s3 =	sadd.s32 s3, s9;
	s6 =	sadd.s32 @!p0 $0x88, s6;
	s7 =	simm.s32 @p2 $0x1082  }
0x22: {  	[simem:s7], [sflag:s8] =	dma.local @!p0 [hbm:s6], $0xF7A  }
0x23: {  	s9 =	sor.u32 $0xD0000000, s2;
	s6 =	simm.s32 $0x108;
	_ =	swait.ge @!p0 [sflag:s8], $0x0  }
0x24: {  	s3 =	sadd.s32 $0x88, s3;
	s6 =	simm.s32 @!p1 $0x1082;
	[sflag:s4] =	ssyncset.s32 $0xFFFFF086  }
0x25: {  	[simem:s6], [sflag:s4] =	dma.local [hbm:s3], $0xF7A  }
0x26: {  	[smem:$0x3F9B] =	sst s1;
	(tag) =	ssettag s2;
	_ =	strace s9  }
0x27: {  	s1 =	sld [smem:$0x3FAB]  }
0x28: {  	s2 =	sld [smem:$0x3FAC]  }
0x29: {  	s4 =	sld [smem:$0x3FAE]  }
0x2a: {  	p0 =	seq.s32 s5, $0x0;
	s5 =	sld [smem:$0x3FAF]  }
0x2b: {  	s6 =	sld [smem:$0x3FB0]  }
0x2c: {  	s7 =	sld [smem:$0x3FB1]  }
0x2d: {  	s3 =	simm.s32 $0x108;
	s8 =	sld [smem:$0x3FB2]  }
0x2e: {  	s3 =	simm.s32 @!p0 $0x1082;
	s9 =	sld [smem:$0x3FB3]  }
0x2f: {  	lr =	sadd.s32 s0, s3;
	s0 =	sld [smem:$0x3FAA]  }
0x30: {  	s3 =	sld [smem:$0x3FAD]  }
0x31: {  	[smem:$0x3FB6] =	sst s10  }
0x32: {  	s10 =	sld [smem:$0x3FB4];
	_ =	sdelay $0x3  }
0x33: {  	p0 =	seq.s32 s10, $0x1;
	s10 =	sld [smem:$0x3FB6];
	_ =	sdelay $0x3  }
0x34: {  	[smem:$0x3FB6] =	sst s10  }
0x35: {  	s10 =	sld [smem:$0x3FB5];
	_ =	sdelay $0x3  }
0x36: {  	p1 =	seq.s32 s10, $0x1;
	s10 =	sld [smem:$0x3FB6];
	_ =	sdelay $0x3  }
0x37: {  	[smem:$0x3FB6] =	sst s10  }
0x38: {  	s10 =	sld [smem:$0x3FB7]  }
0x39: {  	_ = 	snop;
	(pc) =	sbr.ind lr, $3  }
0x3a: {  	_ = 	snop  }
0x3b: {  	_ = 	snop  }
0x3c: {  	p2 =	seq.s32 s10, $0x1;
	s10 =	sld [smem:$0x3FB6]  }
0x3d: {  	_ =	shalt  }
0x3e: {  	_ =	shalt  }
0x3f: {  	_ =	shalt  }
0x40: {  	_ =	shalt  }
0x41: {  	_ =	shalt  }
0x42: {  	_ =	shalt  }
0x43: {  	_ =	shalt  }
0x44: {  	_ =	shalt  }
0x45: {  	_ =	shalt  }
0x46: {  	_ =	shalt  }
0x47: {  	_ =	shalt  }
0x48: {  	_ =	shalt  }
0x49: {  	_ =	shalt  }
0x4a: {  	_ =	shalt  }
0x4b: {  	_ =	shalt  }
0x4c: {  	_ =	shalt  }
0x4d: {  	_ =	shalt  }
0x4e: {  	_ =	shalt  }
0x4f: {  	_ =	shalt  }
0x50: {  	_ =	shalt  }
0x51: {  	_ =	shalt  }
0x52: {  	_ =	shalt  }
0x53: {  	_ =	shalt  }
0x54: {  	_ =	shalt  }
0x55: {  	_ =	shalt  }
0x56: {  	_ =	shalt  }
0x57: {  	_ =	shalt  }
0x58: {  	_ =	shalt  }
0x59: {  	_ =	shalt  }
0x5a: {  	_ =	shalt  }
0x5b: {  	_ =	shalt  }
0x5c: {  	_ =	shalt  }
0x5d: {  	_ =	shalt  }
0x5e: {  	_ =	shalt  }
0x5f: {  	_ =	shalt  }
0x60: {  	_ =	shalt  }
0x61: {  	_ =	shalt  }
0x62: {  	_ =	shalt  }
0x63: {  	_ =	shalt  }
0x64: {  	_ =	shalt  }
0x65: {  	_ =	shalt  }
0x66: {  	_ =	shalt  }
0x67: {  	_ =	shalt  }
0x68: {  	_ =	shalt  }
0x69: {  	_ =	shalt  }
0x6a: {  	_ =	shalt  }
0x6b: {  	_ =	shalt  }
0x6c: {  	_ =	shalt  }
0x6d: {  	_ =	shalt  }
0x6e: {  	_ =	shalt  }
0x6f: {  	_ =	shalt  }
0x70: {  	_ =	shalt  }
0x71: {  	_ =	shalt  }
0x72: {  	_ =	shalt  }
0x73: {  	_ =	shalt  }
0x74: {  	_ =	shalt  }
0x75: {  	_ =	shalt  }
0x76: {  	_ =	shalt  }
0x77: {  	_ =	shalt  }
0x78: {  	_ =	shalt  }
0x79: {  	_ =	shalt  }
0x7a: {  	_ =	shalt  }
0x7b: {  	_ =	shalt  }
0x7c: {  	_ =	shalt  }
0x7d: {  	_ =	shalt  }
0x7e: {  	_ =	shalt  }
0x7f: {  	_ =	shalt  }
0x80: {  	_ =	shalt  }
0x81: {  	_ =	shalt  }
0x82: {  	_ =	shalt  }
0x83: {  	_ =	shalt  }
0x84: {  	_ =	shalt  }
0x85: {  	_ =	shalt  }
0x86: {  	_ =	shalt  }
0x87: {  	_ =	shalt  }
.Lfunc_end0:
.L_simem_size_0:
called_computation_lowered:
.L_overlay_start_0:
0x88: {  	s2 =	sld [smem:$0x3FD9]  }
0x89: {  	s3 =	sld [smem:$0x3FFE];
	_ =	sdelay $0x1  }
0x8a: {  	s1 =	srdreg.scid  }
0x8b: {  	s0 =	sand.u32 $0x1, s1  }
0x8c: {  	s17 =	sshll.u32 s0, $0xA;
	s2 =	sadd.s32 s3, s2  }
0x8d: {  	s2 =	sadd.s32 s2, s17  }
0x8e: {  	[smem:$0x3FC2] =	sst s2  }
0x8f: {  	_ = 	snop  }
0x90: {  	s2 =	sld [smem:$0x3FD0];
	(tm) =	ssettm $0x1  }
0x91: {  	s18 =	sld [smem:$0x3FFB];
	_ =	sdelay $0x3  }
0x92: {  	_ =	strace s18  }
0x93: {  	s3 =	sld [smem:$0x3FFC];
	_ =	sdelay $0x3  }
0x94: {  	_ =	strace s3  }
0x95: {  	s3 =	sld [smem:$0x3FFD];
	_ =	sdelay $0x3  }
0x96: {  	_ =	strace s3  }
0x97: {  	_ =	strace $0x8FFFFFFF  }
0x98: {  	s19 =	sld [smem:$0x3FDB];
	_ =	sdelay $0x1  }
0x99: {  	s4 =	simm.s32 $_scs_section_size  }
0x9a: {  	s5 =	simm.s32 $_size__tile_overlayer_lowered;
	s6 =	simm.s32 $_tile_overlayer_lowered  }
0x9b: {  	s22 =	simm.s32 $0x1BFF;
	s21 =	sshll.u32 s6, $0x1;
	s3 =	sadd.s32 s4, s19  }
0x9c: {  	s7 =	simm.s32 $0x0;
	s20 =	sshll.u32 s5, $0x1;
	s5 =	sadd.s32 s21, s3  }
0x9d: {  	[timem:s7], [sflag:s22] =	dma.local [hbm:s5], s20  }
0x9e: {  	_ =	swait.ge [sflag:s22], s20  }
0x9f: {  	s4 =	ssub.s32 $0x0, s20;
	[sflag:s22] =	ssyncset.done $0x0  }
0xa0: {  	[sflag:s22] =	ssyncadd.s32 s4;
	_ =	sdelay $0x1  }
0xa1: {  	s23 =	simm.s32 $0x1B8B  }
0xa2: {  	_ =	swait.ge [sflag:s23], $0x1  }
0xa3: {  	[sflag:s23] =	ssyncset.done $0x0  }
0xa4: {  	s25 =	simm.s32 $0x1B8E;
	s24 =	sld [smem:$0x3FFE];
	[sflag:s23] =	ssyncadd.s32 $0xFFFFFFFF  }
0xa5: {  	s26 =	simm.s32 $execute0_lowered;
	[smem:$0x3FD2] =	sst s25  }
0xa6: {  	s5 =	sshll.u32 s26, $0x1;
	_ =	strace $0x80000046;
	[dreg:$0x1] =	wrdreg $0xFFFFFFFF  }
0xa7: {  	s28 =	simm.s32 $_size_execute0_lowered;
	s3 =	sadd.s32 s3, s5;
	[dreg:$0x0] =	wrdreg $0x0  }
0xa8: {  	s5 =	sshll.u32 s28, $0x1;
	[dreg:$0x2] =	wrdreg s3  }
0xa9: {  	[dreg:$0x3] =	wrdreg s5  }
0xaa: {  	[dreg:$0x4] =	wrdreg $0xC0  }
0xab: {  	_ =	task [dreg:s7], $0x5FFFF  }
0xac: {  	[dreg:$0x1] =	wrdreg $0xFFFFFFFF  }
0xad: {  	[dreg:$0x0] =	wrdreg $0x60  }
0xae: {  	[dreg:$0x2] =	wrdreg s2  }
0xaf: {  	[dreg:$0x3] =	wrdreg s24  }
0xb0: {  	[dreg:$0x4] =	wrdreg $0x9  }
0xb1: {  	_ =	task.clear_ibuf [dreg:s7], $0x5FFFF;
	_ =	strace $0x90000046  }
0xb2: {  	s29 =	simm.s32 $0x9;
	_ =	strace $0x80000048  }
0xb3: {  	_ =	swait.ge [sflag:s29], $0x1  }
0xb4: {  	[sflag:s29] =	ssyncadd.s32 $0xFFFFFFFF  }
0xb5: {  	_ =	strace $0x90000048  }
0xb6: {  	_ =	sfence  }
0xb7: {  	s30 =	sld [smem:$0x0];
	_ =	sdelay $0x2  }
0xb8: {  	s31 =	sshll.u32 s1, $0xD;
	s1 =	sshrl.u32 s1, $0x2  }
0xb9: {  	s3 =	sand.u32 $0x4000, s31;
	s1 =	sadd.s32 s1, s30  }
0xba: {  	s0 =	sor.u32 s3, s0;
	s1 =	sshll.u32 s1, $0x11  }
0xbb: {  	s0 =	sor.u32 s1, s0  }
0xbc: {  	s0 =	sadd.s32 $0x8F2B, s0  }
0xbd: {  	[sflag:s0] =	ssyncadd.remote.s32 $0x1  }
0xbe: {  	_ =	sfence.sel $0xFFFF  }
0xbf: {  	[dreg:$0x0] =	wrdreg $0xFFFFFFFF;
	(pc) =	sbr.abs _section_cstart, $3  }
0xc0: {  	[dreg:$0x1] =	wrdreg $0xFFFFFFFF  }
0xc1: {  	_ =	task.clear_ibuf [dreg:s7], $0x2FFFF;
	_ =	strace $0x9FFFFFFF  }
0xc2: {  	(tm) =	ssettm $0x7FFFFFFF  }
0xc3: {  	_ =	shalt  }
tec
execute0_lowered:
.L_overlay_start_1:
0x0: {  	(tag) =	ssettag $0x1  }
0x1: {  	s0 =	srdreg.scid;
	s3 =	rddreg [dreg:$0x0]  }
0x2: {  	s5 =	rddreg [dreg:$0x1];
	s4 =	sand.u32 $0x1, s0  }
0x3: {  	s1 =	stileid.u32;
	s8 =	simm.s32 $0x0;
	s2 =	sshll.u32 s4, $0x4  }
0x4: {  	s4 =	ssub.s32 $0x2, s4;
	s6 =	sor.u32 s1, s2;
	s2 =	simm.s32 $0x0  }
0x5: {  	s7 =	sshrl.u32 s4, $0x1;
	s6 =	smul.u32 $0x4E2, s6;
	[smem:$0x7FF] =	sst s2  }
0x6: {  	s0 =	rddreg [dreg:$0x2];
	s7 =	ssub.s32 s4, s7;
	_ =	strace $0x80000047  }
0x7: {  	s5 =	sadd.s32 s6, s5;
	s3 =	sadd.s32 s3, s6;
	s6 =	simm.s32 $0x1  }
0x8: {  	v0 =	vimm.f32 $0.0e+00;
	v1 =	vimm.f32 $1.000000000e+00;
	s4 =	sadd.s32 $0xC000, s5;
	s5 =	smax.u32 s7, $0x1;
	s7 =	simm.s32 $0x2780  }
.LBB2_1:
0x9: {  	s9 =	simm.s32 $0x40;
	s10 =	simm.s32 $0x0  }
.LBB2_2:
0xa: {  	p0 =	sne.s32 s9, $0x9C00;
	[tilespmem:s10+$0x2780] =	vst v0;
	s10 =	smov.u32 s9;
	s9 =	sadd.s32 $0x40, s9  }
.Ltmp0:
0xb: {  	(pc) =	sbr.rel @p0 .LBB2_2-.Ltmp0, $2  }
0xc: {  	_ =	sdelay $0x2  }
0xd: {  	s10 =	sshra.s32 s10, $0x2  }
0xe: {  	[tilespmem:s10+$0x2780] =	vst v0;
	s9 =	simm.s32 $0x0  }
0xf: {  	[tilespmem:s9], [sflag:$0x1] =	stream.linear.gather [hbm4b:s3+s9], $0x2710, $0x38;
	[tilespmem:$0x4F00] =	vst v63  }
0x10: {  	_ =	swait.ge [sflag:s6], $0x2710  }
0x11: {  	[sflag:s6] =	ssyncset.done $0x0  }
0x12: {  	s10 =	simm.s32 $0x0;
	s9 =	simm.s32 $0x40;
	[sflag:s6] =	ssyncadd.s32 $0xFFFFD8F0  }
.LBB2_4:
0x13: {  	p0 =	sne.s32 s9, $0x9C00;
	v2 =	vld [tilespmem:s10+$0x0];
	_ =	sdelay $0x3  }
.Ltmp1:
0x14: {  	(pc) =	sbr.rel @p0 .LBB2_4-.Ltmp1, $2  }
0x15: {  	_ =	sdelay $0x2  }
0x16: {  	s10 =	sshra.s32 s9, $0x2;
	s9 =	sadd.s32 $0x40, s9;
	[tilespmem:v2+s7+$0x0] =	vst.idx.add.f32.msk $0xffff, v1  }
0x17: {  	v2 =	vld [tilespmem:s10+$0x0];
	_ =	sdelay $0x5  }
0x18: {  	s8 =	sadd.s32 $0x1, s8  }
0x19: {  	p0 =	sne.s32 s8, s5  }
.Ltmp2:
0x1a: {  	[tilespmem:v2+s7+$0x0] =	vst.idx.add.f32.msk $0xffff, v1;
	(pc) =	sbr.rel @p0 .LBB2_1-.Ltmp2, $4  }
0x1b: {  	[hbm4b:s4+s2] =	stream.linear.scatter [tilespmem:s7], [sflag:$0x1], $0x2710, $0x38;
	[tilespmem:$0x4F00] =	vst v63  }
0x1c: {  	_ =	swait.ge [sflag:s6], $0x2710  }
0x1d: {  	[sflag:s6] =	ssyncset.done $0x0  }
0x1e: {  	[sflag:s6] =	ssyncadd.s32 $0xFFFFD8F0  }
0x1f: {  	_ =	sfence.sel $0x180000  }
0x20: {  	[bflag:$0x0] =	sbarrier.arrive $0xFFFF  }
0x21: {  	p0 =	sne.s32 s1, $0x0;
	_ =	strace $0x90000047  }
0x22: {  	s0 =	sadd.s32 @!p0 $0x100000, s0;
	[bflag:$0x2] =	sbarrier.arrive $0xFFFF  }
0x23: {  	[sflag:s0] =	ssyncadd.tile.s32 @!p0 $0x1;
	_ =	shalt  }
.Lfunc_end2:
_tile_overlayer_lowered:
.L_overlay_start_2:
0x24: {  	(tag) =	ssettag $0x2  }
0x25: {  	s0 =	rddreg [dreg:$0x0];
	s2 =	stileid.u32  }
0x26: {  	s1 =	rddreg [dreg:$0x1];
	p0 =	sne.s32 s2, $0x0  }
0x27: {  	s3 =	rddreg [dreg:$0x2];
	[bflag:$0x3] =	sbarrier.arrive $0xFFFF;
	s2 =	simm.s32 @!p0 $0x1C01  }
0x28: {  	[timem:s3], [sflag:s2] =	dma.local @!p0 [hbm:s0], s1  }
0x29: {  	s0 =	simm.s32 @!p0 $0x1  }
0x2a: {  	_ =	swait.ge @!p0 [sflag:s0], s1  }
0x2b: {  	s1 =	ssub.s32 @!p0 $0x0, s1;
	[sflag:s0] =	ssyncset.done @!p0 $0x0  }
0x2c: {  	[sflag:s0] =	ssyncadd.s32 @!p0 s1  }
0x2d: {  	[bflag:$0x3] =	sbarrier.arrive $0xFFFF  }
0x2e: {  	_ =	shalt  }

</sc_bundles>
